<compile_context>
chip_gen: v7x
topology: tpu7x:2x2x1
jax: 0.10.2.dev20260603
libtpu: 0.0.44.dev20260713+nightly
codegen_flags: <defaults>
</compile_context>

<pallas_src>
import functools

import jax
import jax.numpy as jnp
import numpy as np
from jax import lax
from jax.experimental import pallas as pl
from jax.experimental.pallas import tpu as pltpu
from jax.experimental.pallas import tpu_sc as plsc

LOG2 = float(np.log(2.0))

_NC = 2
_NS = 16
_NW = _NC * _NS


LOG2E = 1.4426950408889634


def _ssp(x):
    return LOG2 * (jnp.log2(1.0 + jnp.exp2(x * LOG2E)) - 1.0)


def _in2f_body(s_ref, w_ref, y_ref):
    y_ref[...] = jnp.dot(s_ref[...], w_ref[...],
                         preferred_element_type=jnp.float32)


def _in2f(s2d, Win2f):
    A, D = s2d.shape
    F = Win2f.shape[1]
    blk = 2000
    return pl.pallas_call(
        _in2f_body,
        grid=(A // blk,),
        in_specs=[
            pl.BlockSpec((blk, D), lambda i: (i, 0)),
            pl.BlockSpec((D, F), lambda i: (0, 0)),
        ],
        out_specs=pl.BlockSpec((blk, F), lambda i: (i, 0)),
        out_shape=jax.ShapeDtypeStruct((A, F), jnp.float32),
    )(s2d, Win2f)


def _sc_gather(y, idx3):
    A, F = y.shape
    NW, nch, ch = idx3.shape
    per_w = nch * ch
    E = NW * per_w
    nbuf = 5
    ng = nch // nbuf

    mesh = plsc.VectorSubcoreMesh(core_axis_name="c", subcore_axis_name="s")

    @functools.partial(
        pl.kernel,
        mesh=mesh,
        out_type=jax.ShapeDtypeStruct((E, F), jnp.float32),
        scratch_types=[
            pltpu.VMEM((nch, ch), jnp.int32),
            pltpu.VMEM((nbuf, ch, F), jnp.float32),
        ]
        + [pltpu.SemaphoreType.DMA] * (2 * nbuf),
    )
    def gather_kernel(y_hbm, idx_hbm, out_hbm, idx_v, rows, *sems):
        gsem = sems[:nbuf]
        ssem = sems[nbuf:]
        wid = lax.axis_index("s") * _NC + lax.axis_index("c")
        base = wid * per_w
        pltpu.sync_copy(idx_hbm.at[wid], idx_v)

        def fire_gather(c, b):
            pltpu.async_copy(y_hbm.at[idx_v.at[c]], rows.at[b], gsem[b])

        def wait_gather(b):
            pltpu.make_async_copy(out_hbm.at[pl.ds(0, ch), :], rows.at[b],
                                  gsem[b]).wait()

        def fire_scatter(c, b):
            off = pl.multiple_of(base + c * ch, 8)
            pltpu.async_copy(rows.at[b], out_hbm.at[pl.ds(off, ch), :],
                             ssem[b])

        def wait_scatter(b):
            pltpu.make_async_copy(out_hbm.at[pl.ds(0, ch), :], rows.at[b],
                                  ssem[b]).wait()

        for b in range(nbuf):
            fire_gather(b, b)

        def body(i, carry):
            for b in range(nbuf):
                wait_gather(b)
                fire_scatter(nbuf * i + b, b)
            for b in range(nbuf):
                wait_scatter(b)
                fire_gather(nbuf * (i + 1) + b, b)
            return carry

        lax.fori_loop(0, ng - 1, body, 0)
        for b in range(nbuf):
            wait_gather(b)
            fire_scatter(nbuf * (ng - 1) + b, b)
        for b in range(nbuf):
            wait_scatter(b)

    return gather_kernel(y, idx3)


def _fused_body(N, AB, fij_ref, ynb_ref, mask_ref, W1_ref, b1_ref, W2_ref,
                b2_ref, Wf2out_ref, bf2out_ref, Wd_ref, bd_ref, out_ref):
    F = fij_ref.shape[1]
    h = jnp.dot(fij_ref[...], W1_ref[...],
                preferred_element_type=jnp.float32) + b1_ref[...]
    w = jnp.dot(_ssp(h), W2_ref[...],
                preferred_element_type=jnp.float32) + b2_ref[...]
    p = w * ynb_ref[...]
    p3 = p.reshape(AB, N, F) * mask_ref[...][:, :, None]
    agg = jnp.sum(p3, axis=1)
    t = _ssp(jnp.dot(agg, Wf2out_ref[...],
                     preferred_element_type=jnp.float32) + bf2out_ref[...])
    out_ref[...] = jnp.dot(t, Wd_ref[...],
                           preferred_element_type=jnp.float32) + bd_ref[...]


def _fused(fij2d, ynb, maskAN, N, W1, b1, W2, b2, Wf2out, bf2out, Wd, bd,
           blk0=0, nblk=None):
    E, S = fij2d.shape
    F = W1.shape[1]
    D = Wf2out.shape[1]
    AB = 200
    EB = AB * N
    if nblk is None:
        nblk = E // N // AB
    wspec = pl.BlockSpec((S, F), lambda i: (0, 0))
    bspec = pl.BlockSpec((1, F), lambda i: (0, 0))
    return pl.pallas_call(
        functools.partial(_fused_body, N, AB),
        grid=(nblk,),
        in_specs=[
            pl.BlockSpec((EB, S), lambda i: (blk0 + i, 0)),
            pl.BlockSpec((EB, F), lambda i: (i, 0)),
            pl.BlockSpec((AB, N), lambda i: (blk0 + i, 0)),
            wspec, bspec, wspec, bspec,
            pl.BlockSpec((F, D), lambda i: (0, 0)),
            pl.BlockSpec((1, D), lambda i: (0, 0)),
            pl.BlockSpec((D, D), lambda i: (0, 0)),
            pl.BlockSpec((1, D), lambda i: (0, 0)),
        ],
        out_specs=pl.BlockSpec((AB, D), lambda i: (i, 0)),
        out_shape=jax.ShapeDtypeStruct((nblk * AB, D), jnp.float32),
    )(fij2d, ynb, maskAN, W1, b1, W2, b2, Wf2out, bf2out, Wd, bd)


def kernel(s, neighbor_mask, neighbors, f_ij, W1, b1, W2, b2, Win2f,
           Wf2out, bf2out, Wd, bd):
    B, A, N = neighbors.shape
    D = s.shape[-1]
    S = f_ij.shape[-1]
    F = Win2f.shape[1]
    E = B * A * N

    s2d = s.reshape(B * A, D)
    idx = neighbors.reshape(E).astype(jnp.int32)
    fij2d = f_ij.reshape(E, S)
    maskAN = neighbor_mask.reshape(B * A, N)

    y = _in2f(s2d, Win2f)

    per_w = E // _NW
    ch = 80
    ynb = _sc_gather(y, idx.reshape(_NW, per_w // ch, ch))
    out = _fused(fij2d, ynb, maskAN, N,
                 W1, b1.reshape(1, F), W2, b2.reshape(1, F),
                 Wf2out, bf2out.reshape(1, D), Wd, bd.reshape(1, D))
    return out.reshape(B, A, D)

# --- scband reference (transcript-rebuilt; emitter-appended) ---
"""Pipeline reference for scband-c3-net-interaction-30623116820559 (READ-ONLY COPY).

The authoritative reference and input builder live on the scoring server;
editing this copy changes nothing except your own understanding.
"""

import jax, jax.numpy as jnp
import numpy as np

LOG2 = float(np.log(2.0))

def ssp(x):
    # shifted softplus used by SchNet/C3Net Dense(activation=True)
    return jax.nn.softplus(x) - LOG2

def setup_inputs(seed: int = 0) -> dict:
    key = jax.random.key(seed)
    ks = jax.random.split(key, 16)
    B, A, N = 1, 10000, 32
    n_atom_basis, n_spatial_basis, n_filters = 128, 128, 128
    s = jax.random.normal(ks[0], (B, A, n_atom_basis), dtype=jnp.float32)
    neighbor_mask = jnp.ones((B, A, N), dtype=jnp.float32)
    neighbors = jax.random.randint(ks[1], (B, A, N), 0, A).astype(jnp.int64)
    f_ij = jax.random.uniform(ks[2], (B, A, N, n_spatial_basis), dtype=jnp.float32)
    sc = 1.0 / np.sqrt(n_filters)
    # filter_network: Dense(n_spatial_basis, n_filters, act) -> Dense(n_filters, n_filters)
    W1 = jax.random.normal(ks[3], (n_spatial_basis, n_filters), dtype=jnp.float32) * sc
    b1 = jnp.zeros((n_filters,), dtype=jnp.float32)
    W2 = jax.random.normal(ks[4], (n_filters, n_filters), dtype=jnp.float32) * sc
    b2 = jnp.zeros((n_filters,), dtype=jnp.float32)
    # cfconv in2f (no bias), f2out (bias, activation)
    Win2f = jax.random.normal(ks[5], (n_atom_basis, n_filters), dtype=jnp.float32) * sc
    Wf2out = jax.random.normal(ks[6], (n_filters, n_atom_basis), dtype=jnp.float32) * sc
    bf2out = jnp.zeros((n_atom_basis,), dtype=jnp.float32)
    # final dense (bias, no activation)
    Wd = jax.random.normal(ks[7], (n_atom_basis, n_atom_basis), dtype=jnp.float32) * sc
    bd = jnp.zeros((n_atom_basis,), dtype=jnp.float32)
    return {"s": s, "neighbor_mask": neighbor_mask, "neighbors": neighbors, "f_ij": f_ij,
            "W1": W1, "b1": b1, "W2": W2, "b2": b2,
            "Win2f": Win2f, "Wf2out": Wf2out, "bf2out": bf2out,
            "Wd": Wd, "bd": bd}

def reference(s, neighbor_mask, neighbors, f_ij, W1, b1, W2, b2, Win2f, Wf2out, bf2out, Wd, bd):
    B, A, N = neighbors.shape
    F = Win2f.shape[1]
    # filter network on f_ij
    W = ssp(f_ij @ W1 + b1) @ W2 + b2              # [B, A, N, F]
    W = W * neighbor_mask[..., None]
    # in2f
    y = s @ Win2f                                   # [B, A, F]
    # gather neighbor features
    nbh = neighbors.reshape(B, A * N)[..., None]    # [B, A*N, 1]
    y_nb = jnp.take_along_axis(y, nbh, axis=1).reshape(B, A, N, F)
    # continuous-filter conv: elementwise * filter, sum over neighbors
    y = jnp.sum(y_nb * W, axis=2)                   # [B, A, F]
    # f2out with activation
    y = ssp(y @ Wf2out + bf2out)                    # [B, A, n_atom_basis]
    # final dense (no activation)
    v = y @ Wd + bd
    return v

if __name__ == "__main__":
    import jax
    _d = setup_inputs()
    print(jax.jit(kernel)(*tuple(_d.values())))

</pallas_src>

<mosaic_0001>
#map = affine_map<(d0, d1) -> (0, 0)>
#map1 = affine_map<(d0, d1) -> (0, 0, 0)>
module attributes {stable_mosaic.version = 14 : i64} {
  func.func @gather_kernel(%arg0: i32, %arg1: i32, %arg2: memref<10000x128xf32, #tpu.memory_space<hbm>>, %arg3: memref<32x125x80xi32, #tpu.memory_space<hbm>>, %arg4: memref<320000x128xf32, #tpu.memory_space<hbm>>, %arg5: memref<125x80xi32, #tpu.memory_space<vmem>>, %arg6: memref<5x80x128xf32, #tpu.memory_space<vmem>>, %arg7: memref<!tpu.dma_semaphore, #tpu.memory_space<semaphore_mem>>, %arg8: memref<!tpu.dma_semaphore, #tpu.memory_space<semaphore_mem>>, %arg9: memref<!tpu.dma_semaphore, #tpu.memory_space<semaphore_mem>>, %arg10: memref<!tpu.dma_semaphore, #tpu.memory_space<semaphore_mem>>, %arg11: memref<!tpu.dma_semaphore, #tpu.memory_space<semaphore_mem>>, %arg12: memref<!tpu.dma_semaphore, #tpu.memory_space<semaphore_mem>>, %arg13: memref<!tpu.dma_semaphore, #tpu.memory_space<semaphore_mem>>, %arg14: memref<!tpu.dma_semaphore, #tpu.memory_space<semaphore_mem>>, %arg15: memref<!tpu.dma_semaphore, #tpu.memory_space<semaphore_mem>>, %arg16: memref<!tpu.dma_semaphore, #tpu.memory_space<semaphore_mem>>) attributes {dimension_semantics = [#tpu.dimension_semantics<core_parallel>, #tpu.dimension_semantics<subcore_parallel>], iteration_bounds = array<i64: 2, 16>, scalar_prefetch = 0 : i64, scratch_operands = 12 : i64, tpu.core_type = #tpu.core_type<sc_vector_subcore>, window_params = [{transform_indices = #map}, {transform_indices = #map1}, {transform_indices = #map}]} {
    %mul3A = arith.constant 2 : i32
    %mul3A_0 = arith.muli %arg1, %mul3A : i32
    %add3A = arith.addi %mul3A_0, %arg0 : i32
    %mul3A_1 = arith.constant 10000 : i32
    %mul3A_2 = arith.muli %add3A, %mul3A_1 : i32
    "tpu.region"() ({
      %run_scoped3A = tpu.sem_alloc : memref<!tpu.dma_semaphore, #tpu.memory_space<semaphore_mem>>
      %dma_start3A_295 = arith.constant 0 : i32
      %dma_start3A_296 = arith.constant 0 : i32
      %dma_start3A_297 = tpu.memref_slice %arg3[%add3A, %dma_start3A_295, %dma_start3A_296] : memref<32x125x80xi32, #tpu.memory_space<hbm>> -> memref<1x125x80xi32, #tpu.memory_space<hbm>>
      %dma_start3A_298 = tpu.memref_squeeze %dma_start3A_297 : memref<1x125x80xi32, #tpu.memory_space<hbm>> -> memref<125x80xi32, #tpu.memory_space<hbm>>
      %dma_start3A_299 = arith.constant 0 : i32
      %dma_start3A_300 = arith.constant 0 : i32
      %dma_start3A_301 = tpu.memref_slice %arg3[%add3A, %dma_start3A_299, %dma_start3A_300] : memref<32x125x80xi32, #tpu.memory_space<hbm>> -> memref<1x125x80xi32, #tpu.memory_space<hbm>>
      %dma_start3A_302 = tpu.memref_squeeze %dma_start3A_301 : memref<1x125x80xi32, #tpu.memory_space<hbm>> -> memref<125x80xi32, #tpu.memory_space<hbm>>
      tpu.enqueue_dma source(%dma_start3A_302 : memref<125x80xi32, #tpu.memory_space<hbm>>) target(%arg5 : memref<125x80xi32, #tpu.memory_space<vmem>>) target_semaphore(%run_scoped3A : memref<!tpu.dma_semaphore, #tpu.memory_space<semaphore_mem>>)
      %dma_wait3A_303 = arith.constant 0 : i32
      %dma_wait3A_304 = arith.constant 0 : i32
      %dma_wait3A_305 = tpu.memref_slice %arg3[%add3A, %dma_wait3A_303, %dma_wait3A_304] : memref<32x125x80xi32, #tpu.memory_space<hbm>> -> memref<1x125x80xi32, #tpu.memory_space<hbm>>
      %dma_wait3A_306 = tpu.memref_squeeze %dma_wait3A_305 : memref<1x125x80xi32, #tpu.memory_space<hbm>> -> memref<125x80xi32, #tpu.memory_space<hbm>>
      %dma_wait3A_307 = arith.constant 0 : i32
      %dma_wait3A_308 = arith.constant 0 : i32
      %dma_wait3A_309 = tpu.memref_slice %arg3[%add3A, %dma_wait3A_307, %dma_wait3A_308] : memref<32x125x80xi32, #tpu.memory_space<hbm>> -> memref<1x125x80xi32, #tpu.memory_space<hbm>>
      %dma_wait3A_310 = tpu.memref_squeeze %dma_wait3A_309 : memref<1x125x80xi32, #tpu.memory_space<hbm>> -> memref<125x80xi32, #tpu.memory_space<hbm>>
      tpu.wait_dma2 semaphore(%run_scoped3A : memref<!tpu.dma_semaphore, #tpu.memory_space<semaphore_mem>>) src(%dma_wait3A_310 : memref<125x80xi32, #tpu.memory_space<hbm>>) dst(%arg5 : memref<125x80xi32, #tpu.memory_space<vmem>>)
      tpu.yield
    }) : () -> ()
    %dma_start3A = arith.constant 0 : i32
    %dma_start3A_3 = arith.constant 0 : i32
    %dma_start3A_4 = arith.constant 0 : i32
    %dma_start3A_5 = arith.constant 0 : i32
    %dma_start3A_6 = tpu.memref_slice %arg6[%dma_start3A_3, %dma_start3A_4, %dma_start3A_5] : memref<5x80x128xf32, #tpu.memory_space<vmem>> -> memref<1x80x128xf32, #tpu.memory_space<vmem>>
    %dma_start3A_7 = tpu.memref_squeeze %dma_start3A_6 : memref<1x80x128xf32, #tpu.memory_space<vmem>> -> memref<80x128xf32, #tpu.memory_space<vmem>>
    %dma_start3A_8 = arith.constant 0 : i32
    %dma_start3A_9 = tpu.memref_slice %arg5[%dma_start3A, %dma_start3A_8] : memref<125x80xi32, #tpu.memory_space<vmem>> -> memref<1x80xi32, #tpu.memory_space<vmem>>
    %dma_start3A_10 = tpu.memref_squeeze %dma_start3A_9 : memref<1x80xi32, #tpu.memory_space<vmem>> -> memref<80xi32, #tpu.memory_space<vmem>>
    %dma_start3A_11 = arith.constant 0 : i32
    %dma_start3A_12 = arith.constant 0 : i32
    %dma_start3A_13 = tpu.memref_slice %arg2[%dma_start3A_11, %dma_start3A_12] : memref<10000x128xf32, #tpu.memory_space<hbm>> -> memref<10000x128xf32, #tpu.memory_space<hbm>>
    tpu.enqueue_indirect_dma source(%dma_start3A_13 : memref<10000x128xf32, #tpu.memory_space<hbm>>) target(%dma_start3A_7 : memref<80x128xf32, #tpu.memory_space<vmem>>) offsets(%dma_start3A_10 : memref<80xi32, #tpu.memory_space<vmem>>) semaphore(%arg7 : memref<!tpu.dma_semaphore, #tpu.memory_space<semaphore_mem>>)
    %dma_start3A_14 = arith.constant 1 : i32
    %dma_start3A_15 = arith.constant 1 : i32
    %dma_start3A_16 = arith.constant 0 : i32
    %dma_start3A_17 = arith.constant 0 : i32
    %dma_start3A_18 = tpu.memref_slice %arg6[%dma_start3A_15, %dma_start3A_16, %dma_start3A_17] : memref<5x80x128xf32, #tpu.memory_space<vmem>> -> memref<1x80x128xf32, #tpu.memory_space<vmem>>
    %dma_start3A_19 = tpu.memref_squeeze %dma_start3A_18 : memref<1x80x128xf32, #tpu.memory_space<vmem>> -> memref<80x128xf32, #tpu.memory_space<vmem>>
    %dma_start3A_20 = arith.constant 0 : i32
    %dma_start3A_21 = tpu.memref_slice %arg5[%dma_start3A_14, %dma_start3A_20] : memref<125x80xi32, #tpu.memory_space<vmem>> -> memref<1x80xi32, #tpu.memory_space<vmem>>
    %dma_start3A_22 = tpu.memref_squeeze %dma_start3A_21 : memref<1x80xi32, #tpu.memory_space<vmem>> -> memref<80xi32, #tpu.memory_space<vmem>>
    %dma_start3A_23 = arith.constant 0 : i32
    %dma_start3A_24 = arith.constant 0 : i32
    %dma_start3A_25 = tpu.memref_slice %arg2[%dma_start3A_23, %dma_start3A_24] : memref<10000x128xf32, #tpu.memory_space<hbm>> -> memref<10000x128xf32, #tpu.memory_space<hbm>>
    tpu.enqueue_indirect_dma source(%dma_start3A_25 : memref<10000x128xf32, #tpu.memory_space<hbm>>) target(%dma_start3A_19 : memref<80x128xf32, #tpu.memory_space<vmem>>) offsets(%dma_start3A_22 : memref<80xi32, #tpu.memory_space<vmem>>) semaphore(%arg8 : memref<!tpu.dma_semaphore, #tpu.memory_space<semaphore_mem>>)
    %dma_start3A_26 = arith.constant 2 : i32
    %dma_start3A_27 = arith.constant 2 : i32
    %dma_start3A_28 = arith.constant 0 : i32
    %dma_start3A_29 = arith.constant 0 : i32
    %dma_start3A_30 = tpu.memref_slice %arg6[%dma_start3A_27, %dma_start3A_28, %dma_start3A_29] : memref<5x80x128xf32, #tpu.memory_space<vmem>> -> memref<1x80x128xf32, #tpu.memory_space<vmem>>
    %dma_start3A_31 = tpu.memref_squeeze %dma_start3A_30 : memref<1x80x128xf32, #tpu.memory_space<vmem>> -> memref<80x128xf32, #tpu.memory_space<vmem>>
    %dma_start3A_32 = arith.constant 0 : i32
    %dma_start3A_33 = tpu.memref_slice %arg5[%dma_start3A_26, %dma_start3A_32] : memref<125x80xi32, #tpu.memory_space<vmem>> -> memref<1x80xi32, #tpu.memory_space<vmem>>
    %dma_start3A_34 = tpu.memref_squeeze %dma_start3A_33 : memref<1x80xi32, #tpu.memory_space<vmem>> -> memref<80xi32, #tpu.memory_space<vmem>>
    %dma_start3A_35 = arith.constant 0 : i32
    %dma_start3A_36 = arith.constant 0 : i32
    %dma_start3A_37 = tpu.memref_slice %arg2[%dma_start3A_35, %dma_start3A_36] : memref<10000x128xf32, #tpu.memory_space<hbm>> -> memref<10000x128xf32, #tpu.memory_space<hbm>>
    tpu.enqueue_indirect_dma source(%dma_start3A_37 : memref<10000x128xf32, #tpu.memory_space<hbm>>) target(%dma_start3A_31 : memref<80x128xf32, #tpu.memory_space<vmem>>) offsets(%dma_start3A_34 : memref<80xi32, #tpu.memory_space<vmem>>) semaphore(%arg9 : memref<!tpu.dma_semaphore, #tpu.memory_space<semaphore_mem>>)
    %dma_start3A_38 = arith.constant 3 : i32
    %dma_start3A_39 = arith.constant 3 : i32
    %dma_start3A_40 = arith.constant 0 : i32
    %dma_start3A_41 = arith.constant 0 : i32
    %dma_start3A_42 = tpu.memref_slice %arg6[%dma_start3A_39, %dma_start3A_40, %dma_start3A_41] : memref<5x80x128xf32, #tpu.memory_space<vmem>> -> memref<1x80x128xf32, #tpu.memory_space<vmem>>
    %dma_start3A_43 = tpu.memref_squeeze %dma_start3A_42 : memref<1x80x128xf32, #tpu.memory_space<vmem>> -> memref<80x128xf32, #tpu.memory_space<vmem>>
    %dma_start3A_44 = arith.constant 0 : i32
    %dma_start3A_45 = tpu.memref_slice %arg5[%dma_start3A_38, %dma_start3A_44] : memref<125x80xi32, #tpu.memory_space<vmem>> -> memref<1x80xi32, #tpu.memory_space<vmem>>
    %dma_start3A_46 = tpu.memref_squeeze %dma_start3A_45 : memref<1x80xi32, #tpu.memory_space<vmem>> -> memref<80xi32, #tpu.memory_space<vmem>>
    %dma_start3A_47 = arith.constant 0 : i32
    %dma_start3A_48 = arith.constant 0 : i32
    %dma_start3A_49 = tpu.memref_slice %arg2[%dma_start3A_47, %dma_start3A_48] : memref<10000x128xf32, #tpu.memory_space<hbm>> -> memref<10000x128xf32, #tpu.memory_space<hbm>>
    tpu.enqueue_indirect_dma source(%dma_start3A_49 : memref<10000x128xf32, #tpu.memory_space<hbm>>) target(%dma_start3A_43 : memref<80x128xf32, #tpu.memory_space<vmem>>) offsets(%dma_start3A_46 : memref<80xi32, #tpu.memory_space<vmem>>) semaphore(%arg10 : memref<!tpu.dma_semaphore, #tpu.memory_space<semaphore_mem>>)
    %dma_start3A_50 = arith.constant 4 : i32
    %dma_start3A_51 = arith.constant 4 : i32
    %dma_start3A_52 = arith.constant 0 : i32
    %dma_start3A_53 = arith.constant 0 : i32
    %dma_start3A_54 = tpu.memref_slice %arg6[%dma_start3A_51, %dma_start3A_52, %dma_start3A_53] : memref<5x80x128xf32, #tpu.memory_space<vmem>> -> memref<1x80x128xf32, #tpu.memory_space<vmem>>
    %dma_start3A_55 = tpu.memref_squeeze %dma_start3A_54 : memref<1x80x128xf32, #tpu.memory_space<vmem>> -> memref<80x128xf32, #tpu.memory_space<vmem>>
    %dma_start3A_56 = arith.constant 0 : i32
    %dma_start3A_57 = tpu.memref_slice %arg5[%dma_start3A_50, %dma_start3A_56] : memref<125x80xi32, #tpu.memory_space<vmem>> -> memref<1x80xi32, #tpu.memory_space<vmem>>
    %dma_start3A_58 = tpu.memref_squeeze %dma_start3A_57 : memref<1x80xi32, #tpu.memory_space<vmem>> -> memref<80xi32, #tpu.memory_space<vmem>>
    %dma_start3A_59 = arith.constant 0 : i32
    %dma_start3A_60 = arith.constant 0 : i32
    %dma_start3A_61 = tpu.memref_slice %arg2[%dma_start3A_59, %dma_start3A_60] : memref<10000x128xf32, #tpu.memory_space<hbm>> -> memref<10000x128xf32, #tpu.memory_space<hbm>>
    tpu.enqueue_indirect_dma source(%dma_start3A_61 : memref<10000x128xf32, #tpu.memory_space<hbm>>) target(%dma_start3A_55 : memref<80x128xf32, #tpu.memory_space<vmem>>) offsets(%dma_start3A_58 : memref<80xi32, #tpu.memory_space<vmem>>) semaphore(%arg11 : memref<!tpu.dma_semaphore, #tpu.memory_space<semaphore_mem>>)
    %scan3A = arith.constant 0 : i32
    %scan3A_62 = arith.constant 0 : i32
    %scan3A_63 = arith.constant 24 : i32
    %scan3A_64 = arith.addi %scan3A_62, %scan3A_63 : i32
    %scan3A_65 = arith.constant 1 : i32
    scf.for %scan3A_295 = %scan3A_62 to %scan3A_64 step %scan3A_65  : i32 {
      %dma_wait3A_296 = arith.constant 0 : i32
      %dma_wait3A_297 = arith.constant 0 : i32
      %dma_wait3A_298 = arith.constant 0 : i32
      %dma_wait3A_299 = tpu.memref_slice %arg6[%dma_wait3A_296, %dma_wait3A_297, %dma_wait3A_298] : memref<5x80x128xf32, #tpu.memory_space<vmem>> -> memref<1x80x128xf32, #tpu.memory_space<vmem>>
      %dma_wait3A_300 = tpu.memref_squeeze %dma_wait3A_299 : memref<1x80x128xf32, #tpu.memory_space<vmem>> -> memref<80x128xf32, #tpu.memory_space<vmem>>
      %dma_wait3A_301 = arith.constant 0 : i32
      %dma_wait3A_302 = arith.constant 0 : i32
      %dma_wait3A_303 = tpu.memref_slice %arg4[%dma_wait3A_301, %dma_wait3A_302] : memref<320000x128xf32, #tpu.memory_space<hbm>> -> memref<80x128xf32, #tpu.memory_space<hbm>>
      %dma_wait3A_304 = arith.constant 0 : i32
      %dma_wait3A_305 = arith.constant 0 : i32
      %dma_wait3A_306 = tpu.memref_slice %arg6[%dma_wait3A_296, %dma_wait3A_304, %dma_wait3A_305] : memref<5x80x128xf32, #tpu.memory_space<vmem>> -> memref<1x80x128xf32, #tpu.memory_space<vmem>>
      %dma_wait3A_307 = tpu.memref_squeeze %dma_wait3A_306 : memref<1x80x128xf32, #tpu.memory_space<vmem>> -> memref<80x128xf32, #tpu.memory_space<vmem>>
      %dma_wait3A_308 = arith.constant 0 : i32
      %dma_wait3A_309 = arith.constant 0 : i32
      %dma_wait3A_310 = tpu.memref_slice %arg4[%dma_wait3A_308, %dma_wait3A_309] : memref<320000x128xf32, #tpu.memory_space<hbm>> -> memref<80x128xf32, #tpu.memory_space<hbm>>
      tpu.wait_dma2 semaphore(%arg7 : memref<!tpu.dma_semaphore, #tpu.memory_space<semaphore_mem>>) src(%dma_wait3A_310 : memref<80x128xf32, #tpu.memory_space<hbm>>) dst(%dma_wait3A_307 : memref<80x128xf32, #tpu.memory_space<vmem>>)
      %mul3A_311 = arith.constant 5 : i32
      %mul3A_312 = arith.muli %mul3A_311, %scan3A_295 : i32
      %add3A_313 = arith.constant 0 : i32
      %add3A_314 = arith.addi %mul3A_312, %add3A_313 : i32
      %mul3A_315 = arith.constant 80 : i32
      %mul3A_316 = arith.muli %add3A_314, %mul3A_315 : i32
      %add3A_317 = arith.addi %mul3A_2, %mul3A_316 : i32
      %multiple_of3A_318 = tpu.assume_multiple %add3A_317, 8 : i32
      %dma_start3A_319 = arith.constant 0 : i32
      %dma_start3A_320 = arith.constant 0 : i32
      %dma_start3A_321 = arith.constant 0 : i32
      %dma_start3A_322 = tpu.memref_slice %arg6[%dma_start3A_319, %dma_start3A_320, %dma_start3A_321] : memref<5x80x128xf32, #tpu.memory_space<vmem>> -> memref<1x80x128xf32, #tpu.memory_space<vmem>>
      %dma_start3A_323 = tpu.memref_squeeze %dma_start3A_322 : memref<1x80x128xf32, #tpu.memory_space<vmem>> -> memref<80x128xf32, #tpu.memory_space<vmem>>
      %dma_start3A_324 = arith.constant 0 : i32
      %dma_start3A_325 = tpu.memref_slice %arg4[%multiple_of3A_318, %dma_start3A_324] : memref<320000x128xf32, #tpu.memory_space<hbm>> -> memref<80x128xf32, #tpu.memory_space<hbm>>
      %dma_start3A_326 = arith.constant 0 : i32
      %dma_start3A_327 = tpu.memref_slice %arg4[%multiple_of3A_318, %dma_start3A_326] : memref<320000x128xf32, #tpu.memory_space<hbm>> -> memref<80x128xf32, #tpu.memory_space<hbm>>
      %dma_start3A_328 = arith.constant 0 : i32
      %dma_start3A_329 = arith.constant 0 : i32
      %dma_start3A_330 = tpu.memref_slice %arg6[%dma_start3A_319, %dma_start3A_328, %dma_start3A_329] : memref<5x80x128xf32, #tpu.memory_space<vmem>> -> memref<1x80x128xf32, #tpu.memory_space<vmem>>
      %dma_start3A_331 = tpu.memref_squeeze %dma_start3A_330 : memref<1x80x128xf32, #tpu.memory_space<vmem>> -> memref<80x128xf32, #tpu.memory_space<vmem>>
      tpu.enqueue_dma source(%dma_start3A_331 : memref<80x128xf32, #tpu.memory_space<vmem>>) target(%dma_start3A_327 : memref<80x128xf32, #tpu.memory_space<hbm>>) target_semaphore(%arg12 : memref<!tpu.dma_semaphore, #tpu.memory_space<semaphore_mem>>)
      %dma_wait3A_332 = arith.constant 1 : i32
      %dma_wait3A_333 = arith.constant 0 : i32
      %dma_wait3A_334 = arith.constant 0 : i32
      %dma_wait3A_335 = tpu.memref_slice %arg6[%dma_wait3A_332, %dma_wait3A_333, %dma_wait3A_334] : memref<5x80x128xf32, #tpu.memory_space<vmem>> -> memref<1x80x128xf32, #tpu.memory_space<vmem>>
      %dma_wait3A_336 = tpu.memref_squeeze %dma_wait3A_335 : memref<1x80x128xf32, #tpu.memory_space<vmem>> -> memref<80x128xf32, #tpu.memory_space<vmem>>
      %dma_wait3A_337 = arith.constant 0 : i32
      %dma_wait3A_338 = arith.constant 0 : i32
      %dma_wait3A_339 = tpu.memref_slice %arg4[%dma_wait3A_337, %dma_wait3A_338] : memref<320000x128xf32, #tpu.memory_space<hbm>> -> memref<80x128xf32, #tpu.memory_space<hbm>>
      %dma_wait3A_340 = arith.constant 0 : i32
      %dma_wait3A_341 = arith.constant 0 : i32
      %dma_wait3A_342 = tpu.memref_slice %arg6[%dma_wait3A_332, %dma_wait3A_340, %dma_wait3A_341] : memref<5x80x128xf32, #tpu.memory_space<vmem>> -> memref<1x80x128xf32, #tpu.memory_space<vmem>>
      %dma_wait3A_343 = tpu.memref_squeeze %dma_wait3A_342 : memref<1x80x128xf32, #tpu.memory_space<vmem>> -> memref<80x128xf32, #tpu.memory_space<vmem>>
      %dma_wait3A_344 = arith.constant 0 : i32
      %dma_wait3A_345 = arith.constant 0 : i32
      %dma_wait3A_346 = tpu.memref_slice %arg4[%dma_wait3A_344, %dma_wait3A_345] : memref<320000x128xf32, #tpu.memory_space<hbm>> -> memref<80x128xf32, #tpu.memory_space<hbm>>
      tpu.wait_dma2 semaphore(%arg8 : memref<!tpu.dma_semaphore, #tpu.memory_space<semaphore_mem>>) src(%dma_wait3A_346 : memref<80x128xf32, #tpu.memory_space<hbm>>) dst(%dma_wait3A_343 : memref<80x128xf32, #tpu.memory_space<vmem>>)
      %mul3A_347 = arith.constant 5 : i32
      %mul3A_348 = arith.muli %mul3A_347, %scan3A_295 : i32
      %add3A_349 = arith.constant 1 : i32
      %add3A_350 = arith.addi %mul3A_348, %add3A_349 : i32
      %mul3A_351 = arith.constant 80 : i32
      %mul3A_352 = arith.muli %add3A_350, %mul3A_351 : i32
      %add3A_353 = arith.addi %mul3A_2, %mul3A_352 : i32
      %multiple_of3A_354 = tpu.assume_multiple %add3A_353, 8 : i32
      %dma_start3A_355 = arith.constant 1 : i32
      %dma_start3A_356 = arith.constant 0 : i32
      %dma_start3A_357 = arith.constant 0 : i32
      %dma_start3A_358 = tpu.memref_slice %arg6[%dma_start3A_355, %dma_start3A_356, %dma_start3A_357] : memref<5x80x128xf32, #tpu.memory_space<vmem>> -> memref<1x80x128xf32, #tpu.memory_space<vmem>>
      %dma_start3A_359 = tpu.memref_squeeze %dma_start3A_358 : memref<1x80x128xf32, #tpu.memory_space<vmem>> -> memref<80x128xf32, #tpu.memory_space<vmem>>
      %dma_start3A_360 = arith.constant 0 : i32
      %dma_start3A_361 = tpu.memref_slice %arg4[%multiple_of3A_354, %dma_start3A_360] : memref<320000x128xf32, #tpu.memory_space<hbm>> -> memref<80x128xf32, #tpu.memory_space<hbm>>
      %dma_start3A_362 = arith.constant 0 : i32
      %dma_start3A_363 = tpu.memref_slice %arg4[%multiple_of3A_354, %dma_start3A_362] : memref<320000x128xf32, #tpu.memory_space<hbm>> -> memref<80x128xf32, #tpu.memory_space<hbm>>
      %dma_start3A_364 = arith.constant 0 : i32
      %dma_start3A_365 = arith.constant 0 : i32
      %dma_start3A_366 = tpu.memref_slice %arg6[%dma_start3A_355, %dma_start3A_364, %dma_start3A_365] : memref<5x80x128xf32, #tpu.memory_space<vmem>> -> memref<1x80x128xf32, #tpu.memory_space<vmem>>
      %dma_start3A_367 = tpu.memref_squeeze %dma_start3A_366 : memref<1x80x128xf32, #tpu.memory_space<vmem>> -> memref<80x128xf32, #tpu.memory_space<vmem>>
      tpu.enqueue_dma source(%dma_start3A_367 : memref<80x128xf32, #tpu.memory_space<vmem>>) target(%dma_start3A_363 : memref<80x128xf32, #tpu.memory_space<hbm>>) target_semaphore(%arg13 : memref<!tpu.dma_semaphore, #tpu.memory_space<semaphore_mem>>)
      %dma_wait3A_368 = arith.constant 2 : i32
      %dma_wait3A_369 = arith.constant 0 : i32
      %dma_wait3A_370 = arith.constant 0 : i32
      %dma_wait3A_371 = tpu.memref_slice %arg6[%dma_wait3A_368, %dma_wait3A_369, %dma_wait3A_370] : memref<5x80x128xf32, #tpu.memory_space<vmem>> -> memref<1x80x128xf32, #tpu.memory_space<vmem>>
      %dma_wait3A_372 = tpu.memref_squeeze %dma_wait3A_371 : memref<1x80x128xf32, #tpu.memory_space<vmem>> -> memref<80x128xf32, #tpu.memory_space<vmem>>
      %dma_wait3A_373 = arith.constant 0 : i32
      %dma_wait3A_374 = arith.constant 0 : i32
      %dma_wait3A_375 = tpu.memref_slice %arg4[%dma_wait3A_373, %dma_wait3A_374] : memref<320000x128xf32, #tpu.memory_space<hbm>> -> memref<80x128xf32, #tpu.memory_space<hbm>>
      %dma_wait3A_376 = arith.constant 0 : i32
      %dma_wait3A_377 = arith.constant 0 : i32
      %dma_wait3A_378 = tpu.memref_slice %arg6[%dma_wait3A_368, %dma_wait3A_376, %dma_wait3A_377] : memref<5x80x128xf32, #tpu.memory_space<vmem>> -> memref<1x80x128xf32, #tpu.memory_space<vmem>>
      %dma_wait3A_379 = tpu.memref_squeeze %dma_wait3A_378 : memref<1x80x128xf32, #tpu.memory_space<vmem>> -> memref<80x128xf32, #tpu.memory_space<vmem>>
      %dma_wait3A_380 = arith.constant 0 : i32
      %dma_wait3A_381 = arith.constant 0 : i32
      %dma_wait3A_382 = tpu.memref_slice %arg4[%dma_wait3A_380, %dma_wait3A_381] : memref<320000x128xf32, #tpu.memory_space<hbm>> -> memref<80x128xf32, #tpu.memory_space<hbm>>
      tpu.wait_dma2 semaphore(%arg9 : memref<!tpu.dma_semaphore, #tpu.memory_space<semaphore_mem>>) src(%dma_wait3A_382 : memref<80x128xf32, #tpu.memory_space<hbm>>) dst(%dma_wait3A_379 : memref<80x128xf32, #tpu.memory_space<vmem>>)
      %mul3A_383 = arith.constant 5 : i32
      %mul3A_384 = arith.muli %mul3A_383, %scan3A_295 : i32
      %add3A_385 = arith.constant 2 : i32
      %add3A_386 = arith.addi %mul3A_384, %add3A_385 : i32
      %mul3A_387 = arith.constant 80 : i32
      %mul3A_388 = arith.muli %add3A_386, %mul3A_387 : i32
      %add3A_389 = arith.addi %mul3A_2, %mul3A_388 : i32
      %multiple_of3A_390 = tpu.assume_multiple %add3A_389, 8 : i32
      %dma_start3A_391 = arith.constant 2 : i32
      %dma_start3A_392 = arith.constant 0 : i32
      %dma_start3A_393 = arith.constant 0 : i32
      %dma_start3A_394 = tpu.memref_slice %arg6[%dma_start3A_391, %dma_start3A_392, %dma_start3A_393] : memref<5x80x128xf32, #tpu.memory_space<vmem>> -> memref<1x80x128xf32, #tpu.memory_space<vmem>>
      %dma_start3A_395 = tpu.memref_squeeze %dma_start3A_394 : memref<1x80x128xf32, #tpu.memory_space<vmem>> -> memref<80x128xf32, #tpu.memory_space<vmem>>
      %dma_start3A_396 = arith.constant 0 : i32
      %dma_start3A_397 = tpu.memref_slice %arg4[%multiple_of3A_390, %dma_start3A_396] : memref<320000x128xf32, #tpu.memory_space<hbm>> -> memref<80x128xf32, #tpu.memory_space<hbm>>
      %dma_start3A_398 = arith.constant 0 : i32
      %dma_start3A_399 = tpu.memref_slice %arg4[%multiple_of3A_390, %dma_start3A_398] : memref<320000x128xf32, #tpu.memory_space<hbm>> -> memref<80x128xf32, #tpu.memory_space<hbm>>
      %dma_start3A_400 = arith.constant 0 : i32
      %dma_start3A_401 = arith.constant 0 : i32
      %dma_start3A_402 = tpu.memref_slice %arg6[%dma_start3A_391, %dma_start3A_400, %dma_start3A_401] : memref<5x80x128xf32, #tpu.memory_space<vmem>> -> memref<1x80x128xf32, #tpu.memory_space<vmem>>
      %dma_start3A_403 = tpu.memref_squeeze %dma_start3A_402 : memref<1x80x128xf32, #tpu.memory_space<vmem>> -> memref<80x128xf32, #tpu.memory_space<vmem>>
      tpu.enqueue_dma source(%dma_start3A_403 : memref<80x128xf32, #tpu.memory_space<vmem>>) target(%dma_start3A_399 : memref<80x128xf32, #tpu.memory_space<hbm>>) target_semaphore(%arg14 : memref<!tpu.dma_semaphore, #tpu.memory_space<semaphore_mem>>)
      %dma_wait3A_404 = arith.constant 3 : i32
      %dma_wait3A_405 = arith.constant 0 : i32
      %dma_wait3A_406 = arith.constant 0 : i32
      %dma_wait3A_407 = tpu.memref_slice %arg6[%dma_wait3A_404, %dma_wait3A_405, %dma_wait3A_406] : memref<5x80x128xf32, #tpu.memory_space<vmem>> -> memref<1x80x128xf32, #tpu.memory_space<vmem>>
      %dma_wait3A_408 = tpu.memref_squeeze %dma_wait3A_407 : memref<1x80x128xf32, #tpu.memory_space<vmem>> -> memref<80x128xf32, #tpu.memory_space<vmem>>
      %dma_wait3A_409 = arith.constant 0 : i32
      %dma_wait3A_410 = arith.constant 0 : i32
      %dma_wait3A_411 = tpu.memref_slice %arg4[%dma_wait3A_409, %dma_wait3A_410] : memref<320000x128xf32, #tpu.memory_space<hbm>> -> memref<80x128xf32, #tpu.memory_space<hbm>>
      %dma_wait3A_412 = arith.constant 0 : i32
      %dma_wait3A_413 = arith.constant 0 : i32
      %dma_wait3A_414 = tpu.memref_slice %arg6[%dma_wait3A_404, %dma_wait3A_412, %dma_wait3A_413] : memref<5x80x128xf32, #tpu.memory_space<vmem>> -> memref<1x80x128xf32, #tpu.memory_space<vmem>>
      %dma_wait3A_415 = tpu.memref_squeeze %dma_wait3A_414 : memref<1x80x128xf32, #tpu.memory_space<vmem>> -> memref<80x128xf32, #tpu.memory_space<vmem>>
      %dma_wait3A_416 = arith.constant 0 : i32
      %dma_wait3A_417 = arith.constant 0 : i32
      %dma_wait3A_418 = tpu.memref_slice %arg4[%dma_wait3A_416, %dma_wait3A_417] : memref<320000x128xf32, #tpu.memory_space<hbm>> -> memref<80x128xf32, #tpu.memory_space<hbm>>
      tpu.wait_dma2 semaphore(%arg10 : memref<!tpu.dma_semaphore, #tpu.memory_space<semaphore_mem>>) src(%dma_wait3A_418 : memref<80x128xf32, #tpu.memory_space<hbm>>) dst(%dma_wait3A_415 : memref<80x128xf32, #tpu.memory_space<vmem>>)
      %mul3A_419 = arith.constant 5 : i32
      %mul3A_420 = arith.muli %mul3A_419, %scan3A_295 : i32
      %add3A_421 = arith.constant 3 : i32
      %add3A_422 = arith.addi %mul3A_420, %add3A_421 : i32
      %mul3A_423 = arith.constant 80 : i32
      %mul3A_424 = arith.muli %add3A_422, %mul3A_423 : i32
      %add3A_425 = arith.addi %mul3A_2, %mul3A_424 : i32
      %multiple_of3A_426 = tpu.assume_multiple %add3A_425, 8 : i32
      %dma_start3A_427 = arith.constant 3 : i32
      %dma_start3A_428 = arith.constant 0 : i32
      %dma_start3A_429 = arith.constant 0 : i32
      %dma_start3A_430 = tpu.memref_slice %arg6[%dma_start3A_427, %dma_start3A_428, %dma_start3A_429] : memref<5x80x128xf32, #tpu.memory_space<vmem>> -> memref<1x80x128xf32, #tpu.memory_space<vmem>>
      %dma_start3A_431 = tpu.memref_squeeze %dma_start3A_430 : memref<1x80x128xf32, #tpu.memory_space<vmem>> -> memref<80x128xf32, #tpu.memory_space<vmem>>
      %dma_start3A_432 = arith.constant 0 : i32
      %dma_start3A_433 = tpu.memref_slice %arg4[%multiple_of3A_426, %dma_start3A_432] : memref<320000x128xf32, #tpu.memory_space<hbm>> -> memref<80x128xf32, #tpu.memory_space<hbm>>
      %dma_start3A_434 = arith.constant 0 : i32
      %dma_start3A_435 = tpu.memref_slice %arg4[%multiple_of3A_426, %dma_start3A_434] : memref<320000x128xf32, #tpu.memory_space<hbm>> -> memref<80x128xf32, #tpu.memory_space<hbm>>
      %dma_start3A_436 = arith.constant 0 : i32
      %dma_start3A_437 = arith.constant 0 : i32
      %dma_start3A_438 = tpu.memref_slice %arg6[%dma_start3A_427, %dma_start3A_436, %dma_start3A_437] : memref<5x80x128xf32, #tpu.memory_space<vmem>> -> memref<1x80x128xf32, #tpu.memory_space<vmem>>
      %dma_start3A_439 = tpu.memref_squeeze %dma_start3A_438 : memref<1x80x128xf32, #tpu.memory_space<vmem>> -> memref<80x128xf32, #tpu.memory_space<vmem>>
      tpu.enqueue_dma source(%dma_start3A_439 : memref<80x128xf32, #tpu.memory_space<vmem>>) target(%dma_start3A_435 : memref<80x128xf32, #tpu.memory_space<hbm>>) target_semaphore(%arg15 : memref<!tpu.dma_semaphore, #tpu.memory_space<semaphore_mem>>)
      %dma_wait3A_440 = arith.constant 4 : i32
      %dma_wait3A_441 = arith.constant 0 : i32
      %dma_wait3A_442 = arith.constant 0 : i32
      %dma_wait3A_443 = tpu.memref_slice %arg6[%dma_wait3A_440, %dma_wait3A_441, %dma_wait3A_442] : memref<5x80x128xf32, #tpu.memory_space<vmem>> -> memref<1x80x128xf32, #tpu.memory_space<vmem>>
      %dma_wait3A_444 = tpu.memref_squeeze %dma_wait3A_443 : memref<1x80x128xf32, #tpu.memory_space<vmem>> -> memref<80x128xf32, #tpu.memory_space<vmem>>
      %dma_wait3A_445 = arith.constant 0 : i32
      %dma_wait3A_446 = arith.constant 0 : i32
      %dma_wait3A_447 = tpu.memref_slice %arg4[%dma_wait3A_445, %dma_wait3A_446] : memref<320000x128xf32, #tpu.memory_space<hbm>> -> memref<80x128xf32, #tpu.memory_space<hbm>>
      %dma_wait3A_448 = arith.constant 0 : i32
      %dma_wait3A_449 = arith.constant 0 : i32
      %dma_wait3A_450 = tpu.memref_slice %arg6[%dma_wait3A_440, %dma_wait3A_448, %dma_wait3A_449] : memref<5x80x128xf32, #tpu.memory_space<vmem>> -> memref<1x80x128xf32, #tpu.memory_space<vmem>>
      %dma_wait3A_451 = tpu.memref_squeeze %dma_wait3A_450 : memref<1x80x128xf32, #tpu.memory_space<vmem>> -> memref<80x128xf32, #tpu.memory_space<vmem>>
      %dma_wait3A_452 = arith.constant 0 : i32
      %dma_wait3A_453 = arith.constant 0 : i32
      %dma_wait3A_454 = tpu.memref_slice %arg4[%dma_wait3A_452, %dma_wait3A_453] : memref<320000x128xf32, #tpu.memory_space<hbm>> -> memref<80x128xf32, #tpu.memory_space<hbm>>
      tpu.wait_dma2 semaphore(%arg11 : memref<!tpu.dma_semaphore, #tpu.memory_space<semaphore_mem>>) src(%dma_wait3A_454 : memref<80x128xf32, #tpu.memory_space<hbm>>) dst(%dma_wait3A_451 : memref<80x128xf32, #tpu.memory_space<vmem>>)
      %mul3A_455 = arith.constant 5 : i32
      %mul3A_456 = arith.muli %mul3A_455, %scan3A_295 : i32
      %add3A_457 = arith.constant 4 : i32
      %add3A_458 = arith.addi %mul3A_456, %add3A_457 : i32
      %mul3A_459 = arith.constant 80 : i32
      %mul3A_460 = arith.muli %add3A_458, %mul3A_459 : i32
      %add3A_461 = arith.addi %mul3A_2, %mul3A_460 : i32
      %multiple_of3A_462 = tpu.assume_multiple %add3A_461, 8 : i32
      %dma_start3A_463 = arith.constant 4 : i32
      %dma_start3A_464 = arith.constant 0 : i32
      %dma_start3A_465 = arith.constant 0 : i32
      %dma_start3A_466 = tpu.memref_slice %arg6[%dma_start3A_463, %dma_start3A_464, %dma_start3A_465] : memref<5x80x128xf32, #tpu.memory_space<vmem>> -> memref<1x80x128xf32, #tpu.memory_space<vmem>>
      %dma_start3A_467 = tpu.memref_squeeze %dma_start3A_466 : memref<1x80x128xf32, #tpu.memory_space<vmem>> -> memref<80x128xf32, #tpu.memory_space<vmem>>
      %dma_start3A_468 = arith.constant 0 : i32
      %dma_start3A_469 = tpu.memref_slice %arg4[%multiple_of3A_462, %dma_start3A_468] : memref<320000x128xf32, #tpu.memory_space<hbm>> -> memref<80x128xf32, #tpu.memory_space<hbm>>
      %dma_start3A_470 = arith.constant 0 : i32
      %dma_start3A_471 = tpu.memref_slice %arg4[%multiple_of3A_462, %dma_start3A_470] : memref<320000x128xf32, #tpu.memory_space<hbm>> -> memref<80x128xf32, #tpu.memory_space<hbm>>
      %dma_start3A_472 = arith.constant 0 : i32
      %dma_start3A_473 = arith.constant 0 : i32
      %dma_start3A_474 = tpu.memref_slice %arg6[%dma_start3A_463, %dma_start3A_472, %dma_start3A_473] : memref<5x80x128xf32, #tpu.memory_space<vmem>> -> memref<1x80x128xf32, #tpu.memory_space<vmem>>
      %dma_start3A_475 = tpu.memref_squeeze %dma_start3A_474 : memref<1x80x128xf32, #tpu.memory_space<vmem>> -> memref<80x128xf32, #tpu.memory_space<vmem>>
      tpu.enqueue_dma source(%dma_start3A_475 : memref<80x128xf32, #tpu.memory_space<vmem>>) target(%dma_start3A_471 : memref<80x128xf32, #tpu.memory_space<hbm>>) target_semaphore(%arg16 : memref<!tpu.dma_semaphore, #tpu.memory_space<semaphore_mem>>)
      %dma_wait3A_476 = arith.constant 0 : i32
      %dma_wait3A_477 = arith.constant 0 : i32
      %dma_wait3A_478 = arith.constant 0 : i32
      %dma_wait3A_479 = tpu.memref_slice %arg6[%dma_wait3A_476, %dma_wait3A_477, %dma_wait3A_478] : memref<5x80x128xf32, #tpu.memory_space<vmem>> -> memref<1x80x128xf32, #tpu.memory_space<vmem>>
      %dma_wait3A_480 = tpu.memref_squeeze %dma_wait3A_479 : memref<1x80x128xf32, #tpu.memory_space<vmem>> -> memref<80x128xf32, #tpu.memory_space<vmem>>
      %dma_wait3A_481 = arith.constant 0 : i32
      %dma_wait3A_482 = arith.constant 0 : i32
      %dma_wait3A_483 = tpu.memref_slice %arg4[%dma_wait3A_481, %dma_wait3A_482] : memref<320000x128xf32, #tpu.memory_space<hbm>> -> memref<80x128xf32, #tpu.memory_space<hbm>>
      %dma_wait3A_484 = arith.constant 0 : i32
      %dma_wait3A_485 = arith.constant 0 : i32
      %dma_wait3A_486 = tpu.memref_slice %arg6[%dma_wait3A_476, %dma_wait3A_484, %dma_wait3A_485] : memref<5x80x128xf32, #tpu.memory_space<vmem>> -> memref<1x80x128xf32, #tpu.memory_space<vmem>>
      %dma_wait3A_487 = tpu.memref_squeeze %dma_wait3A_486 : memref<1x80x128xf32, #tpu.memory_space<vmem>> -> memref<80x128xf32, #tpu.memory_space<vmem>>
      %dma_wait3A_488 = arith.constant 0 : i32
      %dma_wait3A_489 = arith.constant 0 : i32
      %dma_wait3A_490 = tpu.memref_slice %arg4[%dma_wait3A_488, %dma_wait3A_489] : memref<320000x128xf32, #tpu.memory_space<hbm>> -> memref<80x128xf32, #tpu.memory_space<hbm>>
      tpu.wait_dma2 semaphore(%arg12 : memref<!tpu.dma_semaphore, #tpu.memory_space<semaphore_mem>>) src(%dma_wait3A_490 : memref<80x128xf32, #tpu.memory_space<hbm>>) dst(%dma_wait3A_487 : memref<80x128xf32, #tpu.memory_space<vmem>>)
      %add3A_491 = arith.constant 1 : i32
      %add3A_492 = arith.addi %scan3A_295, %add3A_491 : i32
      %mul3A_493 = arith.constant 5 : i32
      %mul3A_494 = arith.muli %mul3A_493, %add3A_492 : i32
      %add3A_495 = arith.constant 0 : i32
      %add3A_496 = arith.addi %mul3A_494, %add3A_495 : i32
      %dma_start3A_497 = arith.constant 0 : i32
      %dma_start3A_498 = arith.constant 0 : i32
      %dma_start3A_499 = arith.constant 0 : i32
      %dma_start3A_500 = tpu.memref_slice %arg6[%dma_start3A_497, %dma_start3A_498, %dma_start3A_499] : memref<5x80x128xf32, #tpu.memory_space<vmem>> -> memref<1x80x128xf32, #tpu.memory_space<vmem>>
      %dma_start3A_501 = tpu.memref_squeeze %dma_start3A_500 : memref<1x80x128xf32, #tpu.memory_space<vmem>> -> memref<80x128xf32, #tpu.memory_space<vmem>>
      %dma_start3A_502 = arith.constant 0 : i32
      %dma_start3A_503 = tpu.memref_slice %arg5[%add3A_496, %dma_start3A_502] : memref<125x80xi32, #tpu.memory_space<vmem>> -> memref<1x80xi32, #tpu.memory_space<vmem>>
      %dma_start3A_504 = tpu.memref_squeeze %dma_start3A_503 : memref<1x80xi32, #tpu.memory_space<vmem>> -> memref<80xi32, #tpu.memory_space<vmem>>
      %dma_start3A_505 = arith.constant 0 : i32
      %dma_start3A_506 = arith.constant 0 : i32
      %dma_start3A_507 = tpu.memref_slice %arg2[%dma_start3A_505, %dma_start3A_506] : memref<10000x128xf32, #tpu.memory_space<hbm>> -> memref<10000x128xf32, #tpu.memory_space<hbm>>
      tpu.enqueue_indirect_dma source(%dma_start3A_507 : memref<10000x128xf32, #tpu.memory_space<hbm>>) target(%dma_start3A_501 : memref<80x128xf32, #tpu.memory_space<vmem>>) offsets(%dma_start3A_504 : memref<80xi32, #tpu.memory_space<vmem>>) semaphore(%arg7 : memref<!tpu.dma_semaphore, #tpu.memory_space<semaphore_mem>>)
      %dma_wait3A_508 = arith.constant 1 : i32
      %dma_wait3A_509 = arith.constant 0 : i32
      %dma_wait3A_510 = arith.constant 0 : i32
      %dma_wait3A_511 = tpu.memref_slice %arg6[%dma_wait3A_508, %dma_wait3A_509, %dma_wait3A_510] : memref<5x80x128xf32, #tpu.memory_space<vmem>> -> memref<1x80x128xf32, #tpu.memory_space<vmem>>
      %dma_wait3A_512 = tpu.memref_squeeze %dma_wait3A_511 : memref<1x80x128xf32, #tpu.memory_space<vmem>> -> memref<80x128xf32, #tpu.memory_space<vmem>>
      %dma_wait3A_513 = arith.constant 0 : i32
      %dma_wait3A_514 = arith.constant 0 : i32
      %dma_wait3A_515 = tpu.memref_slice %arg4[%dma_wait3A_513, %dma_wait3A_514] : memref<320000x128xf32, #tpu.memory_space<hbm>> -> memref<80x128xf32, #tpu.memory_space<hbm>>
      %dma_wait3A_516 = arith.constant 0 : i32
      %dma_wait3A_517 = arith.constant 0 : i32
      %dma_wait3A_518 = tpu.memref_slice %arg6[%dma_wait3A_508, %dma_wait3A_516, %dma_wait3A_517] : memref<5x80x128xf32, #tpu.memory_space<vmem>> -> memref<1x80x128xf32, #tpu.memory_space<vmem>>
      %dma_wait3A_519 = tpu.memref_squeeze %dma_wait3A_518 : memref<1x80x128xf32, #tpu.memory_space<vmem>> -> memref<80x128xf32, #tpu.memory_space<vmem>>
      %dma_wait3A_520 = arith.constant 0 : i32
      %dma_wait3A_521 = arith.constant 0 : i32
      %dma_wait3A_522 = tpu.memref_slice %arg4[%dma_wait3A_520, %dma_wait3A_521] : memref<320000x128xf32, #tpu.memory_space<hbm>> -> memref<80x128xf32, #tpu.memory_space<hbm>>
      tpu.wait_dma2 semaphore(%arg13 : memref<!tpu.dma_semaphore, #tpu.memory_space<semaphore_mem>>) src(%dma_wait3A_522 : memref<80x128xf32, #tpu.memory_space<hbm>>) dst(%dma_wait3A_519 : memref<80x128xf32, #tpu.memory_space<vmem>>)
      %add3A_523 = arith.constant 1 : i32
      %add3A_524 = arith.addi %scan3A_295, %add3A_523 : i32
      %mul3A_525 = arith.constant 5 : i32
      %mul3A_526 = arith.muli %mul3A_525, %add3A_524 : i32
      %add3A_527 = arith.constant 1 : i32
      %add3A_528 = arith.addi %mul3A_526, %add3A_527 : i32
      %dma_start3A_529 = arith.constant 1 : i32
      %dma_start3A_530 = arith.constant 0 : i32
      %dma_start3A_531 = arith.constant 0 : i32
      %dma_start3A_532 = tpu.memref_slice %arg6[%dma_start3A_529, %dma_start3A_530, %dma_start3A_531] : memref<5x80x128xf32, #tpu.memory_space<vmem>> -> memref<1x80x128xf32, #tpu.memory_space<vmem>>
      %dma_start3A_533 = tpu.memref_squeeze %dma_start3A_532 : memref<1x80x128xf32, #tpu.memory_space<vmem>> -> memref<80x128xf32, #tpu.memory_space<vmem>>
      %dma_start3A_534 = arith.constant 0 : i32
      %dma_start3A_535 = tpu.memref_slice %arg5[%add3A_528, %dma_start3A_534] : memref<125x80xi32, #tpu.memory_space<vmem>> -> memref<1x80xi32, #tpu.memory_space<vmem>>
      %dma_start3A_536 = tpu.memref_squeeze %dma_start3A_535 : memref<1x80xi32, #tpu.memory_space<vmem>> -> memref<80xi32, #tpu.memory_space<vmem>>
      %dma_start3A_537 = arith.constant 0 : i32
      %dma_start3A_538 = arith.constant 0 : i32
      %dma_start3A_539 = tpu.memref_slice %arg2[%dma_start3A_537, %dma_start3A_538] : memref<10000x128xf32, #tpu.memory_space<hbm>> -> memref<10000x128xf32, #tpu.memory_space<hbm>>
      tpu.enqueue_indirect_dma source(%dma_start3A_539 : memref<10000x128xf32, #tpu.memory_space<hbm>>) target(%dma_start3A_533 : memref<80x128xf32, #tpu.memory_space<vmem>>) offsets(%dma_start3A_536 : memref<80xi32, #tpu.memory_space<vmem>>) semaphore(%arg8 : memref<!tpu.dma_semaphore, #tpu.memory_space<semaphore_mem>>)
      %dma_wait3A_540 = arith.constant 2 : i32
      %dma_wait3A_541 = arith.constant 0 : i32
      %dma_wait3A_542 = arith.constant 0 : i32
      %dma_wait3A_543 = tpu.memref_slice %arg6[%dma_wait3A_540, %dma_wait3A_541, %dma_wait3A_542] : memref<5x80x128xf32, #tpu.memory_space<vmem>> -> memref<1x80x128xf32, #tpu.memory_space<vmem>>
      %dma_wait3A_544 = tpu.memref_squeeze %dma_wait3A_543 : memref<1x80x128xf32, #tpu.memory_space<vmem>> -> memref<80x128xf32, #tpu.memory_space<vmem>>
      %dma_wait3A_545 = arith.constant 0 : i32
      %dma_wait3A_546 = arith.constant 0 : i32
      %dma_wait3A_547 = tpu.memref_slice %arg4[%dma_wait3A_545, %dma_wait3A_546] : memref<320000x128xf32, #tpu.memory_space<hbm>> -> memref<80x128xf32, #tpu.memory_space<hbm>>
      %dma_wait3A_548 = arith.constant 0 : i32
      %dma_wait3A_549 = arith.constant 0 : i32
      %dma_wait3A_550 = tpu.memref_slice %arg6[%dma_wait3A_540, %dma_wait3A_548, %dma_wait3A_549] : memref<5x80x128xf32, #tpu.memory_space<vmem>> -> memref<1x80x128xf32, #tpu.memory_space<vmem>>
      %dma_wait3A_551 = tpu.memref_squeeze %dma_wait3A_550 : memref<1x80x128xf32, #tpu.memory_space<vmem>> -> memref<80x128xf32, #tpu.memory_space<vmem>>
      %dma_wait3A_552 = arith.constant 0 : i32
      %dma_wait3A_553 = arith.constant 0 : i32
      %dma_wait3A_554 = tpu.memref_slice %arg4[%dma_wait3A_552, %dma_wait3A_553] : memref<320000x128xf32, #tpu.memory_space<hbm>> -> memref<80x128xf32, #tpu.memory_space<hbm>>
      tpu.wait_dma2 semaphore(%arg14 : memref<!tpu.dma_semaphore, #tpu.memory_space<semaphore_mem>>) src(%dma_wait3A_554 : memref<80x128xf32, #tpu.memory_space<hbm>>) dst(%dma_wait3A_551 : memref<80x128xf32, #tpu.memory_space<vmem>>)
      %add3A_555 = arith.constant 1 : i32
      %add3A_556 = arith.addi %scan3A_295, %add3A_555 : i32
      %mul3A_557 = arith.constant 5 : i32
      %mul3A_558 = arith.muli %mul3A_557, %add3A_556 : i32
      %add3A_559 = arith.constant 2 : i32
      %add3A_560 = arith.addi %mul3A_558, %add3A_559 : i32
      %dma_start3A_561 = arith.constant 2 : i32
      %dma_start3A_562 = arith.constant 0 : i32
      %dma_start3A_563 = arith.constant 0 : i32
      %dma_start3A_564 = tpu.memref_slice %arg6[%dma_start3A_561, %dma_start3A_562, %dma_start3A_563] : memref<5x80x128xf32, #tpu.memory_space<vmem>> -> memref<1x80x128xf32, #tpu.memory_space<vmem>>
      %dma_start3A_565 = tpu.memref_squeeze %dma_start3A_564 : memref<1x80x128xf32, #tpu.memory_space<vmem>> -> memref<80x128xf32, #tpu.memory_space<vmem>>
      %dma_start3A_566 = arith.constant 0 : i32
      %dma_start3A_567 = tpu.memref_slice %arg5[%add3A_560, %dma_start3A_566] : memref<125x80xi32, #tpu.memory_space<vmem>> -> memref<1x80xi32, #tpu.memory_space<vmem>>
      %dma_start3A_568 = tpu.memref_squeeze %dma_start3A_567 : memref<1x80xi32, #tpu.memory_space<vmem>> -> memref<80xi32, #tpu.memory_space<vmem>>
      %dma_start3A_569 = arith.constant 0 : i32
      %dma_start3A_570 = arith.constant 0 : i32
      %dma_start3A_571 = tpu.memref_slice %arg2[%dma_start3A_569, %dma_start3A_570] : memref<10000x128xf32, #tpu.memory_space<hbm>> -> memref<10000x128xf32, #tpu.memory_space<hbm>>
      tpu.enqueue_indirect_dma source(%dma_start3A_571 : memref<10000x128xf32, #tpu.memory_space<hbm>>) target(%dma_start3A_565 : memref<80x128xf32, #tpu.memory_space<vmem>>) offsets(%dma_start3A_568 : memref<80xi32, #tpu.memory_space<vmem>>) semaphore(%arg9 : memref<!tpu.dma_semaphore, #tpu.memory_space<semaphore_mem>>)
      %dma_wait3A_572 = arith.constant 3 : i32
      %dma_wait3A_573 = arith.constant 0 : i32
      %dma_wait3A_574 = arith.constant 0 : i32
      %dma_wait3A_575 = tpu.memref_slice %arg6[%dma_wait3A_572, %dma_wait3A_573, %dma_wait3A_574] : memref<5x80x128xf32, #tpu.memory_space<vmem>> -> memref<1x80x128xf32, #tpu.memory_space<vmem>>
      %dma_wait3A_576 = tpu.memref_squeeze %dma_wait3A_575 : memref<1x80x128xf32, #tpu.memory_space<vmem>> -> memref<80x128xf32, #tpu.memory_space<vmem>>
      %dma_wait3A_577 = arith.constant 0 : i32
      %dma_wait3A_578 = arith.constant 0 : i32
      %dma_wait3A_579 = tpu.memref_slice %arg4[%dma_wait3A_577, %dma_wait3A_578] : memref<320000x128xf32, #tpu.memory_space<hbm>> -> memref<80x128xf32, #tpu.memory_space<hbm>>
      %dma_wait3A_580 = arith.constant 0 : i32
      %dma_wait3A_581 = arith.constant 0 : i32
      %dma_wait3A_582 = tpu.memref_slice %arg6[%dma_wait3A_572, %dma_wait3A_580, %dma_wait3A_581] : memref<5x80x128xf32, #tpu.memory_space<vmem>> -> memref<1x80x128xf32, #tpu.memory_space<vmem>>
      %dma_wait3A_583 = tpu.memref_squeeze %dma_wait3A_582 : memref<1x80x128xf32, #tpu.memory_space<vmem>> -> memref<80x128xf32, #tpu.memory_space<vmem>>
      %dma_wait3A_584 = arith.constant 0 : i32
      %dma_wait3A_585 = arith.constant 0 : i32
      %dma_wait3A_586 = tpu.memref_slice %arg4[%dma_wait3A_584, %dma_wait3A_585] : memref<320000x128xf32, #tpu.memory_space<hbm>> -> memref<80x128xf32, #tpu.memory_space<hbm>>
      tpu.wait_dma2 semaphore(%arg15 : memref<!tpu.dma_semaphore, #tpu.memory_space<semaphore_mem>>) src(%dma_wait3A_586 : memref<80x128xf32, #tpu.memory_space<hbm>>) dst(%dma_wait3A_583 : memref<80x128xf32, #tpu.memory_space<vmem>>)
      %add3A_587 = arith.constant 1 : i32
      %add3A_588 = arith.addi %scan3A_295, %add3A_587 : i32
      %mul3A_589 = arith.constant 5 : i32
      %mul3A_590 = arith.muli %mul3A_589, %add3A_588 : i32
      %add3A_591 = arith.constant 3 : i32
      %add3A_592 = arith.addi %mul3A_590, %add3A_591 : i32
      %dma_start3A_593 = arith.constant 3 : i32
      %dma_start3A_594 = arith.constant 0 : i32
      %dma_start3A_595 = arith.constant 0 : i32
      %dma_start3A_596 = tpu.memref_slice %arg6[%dma_start3A_593, %dma_start3A_594, %dma_start3A_595] : memref<5x80x128xf32, #tpu.memory_space<vmem>> -> memref<1x80x128xf32, #tpu.memory_space<vmem>>
      %dma_start3A_597 = tpu.memref_squeeze %dma_start3A_596 : memref<1x80x128xf32, #tpu.memory_space<vmem>> -> memref<80x128xf32, #tpu.memory_space<vmem>>
      %dma_start3A_598 = arith.constant 0 : i32
      %dma_start3A_599 = tpu.memref_slice %arg5[%add3A_592, %dma_start3A_598] : memref<125x80xi32, #tpu.memory_space<vmem>> -> memref<1x80xi32, #tpu.memory_space<vmem>>
      %dma_start3A_600 = tpu.memref_squeeze %dma_start3A_599 : memref<1x80xi32, #tpu.memory_space<vmem>> -> memref<80xi32, #tpu.memory_space<vmem>>
      %dma_start3A_601 = arith.constant 0 : i32
      %dma_start3A_602 = arith.constant 0 : i32
      %dma_start3A_603 = tpu.memref_slice %arg2[%dma_start3A_601, %dma_start3A_602] : memref<10000x128xf32, #tpu.memory_space<hbm>> -> memref<10000x128xf32, #tpu.memory_space<hbm>>
      tpu.enqueue_indirect_dma source(%dma_start3A_603 : memref<10000x128xf32, #tpu.memory_space<hbm>>) target(%dma_start3A_597 : memref<80x128xf32, #tpu.memory_space<vmem>>) offsets(%dma_start3A_600 : memref<80xi32, #tpu.memory_space<vmem>>) semaphore(%arg10 : memref<!tpu.dma_semaphore, #tpu.memory_space<semaphore_mem>>)
      %dma_wait3A_604 = arith.constant 4 : i32
      %dma_wait3A_605 = arith.constant 0 : i32
      %dma_wait3A_606 = arith.constant 0 : i32
      %dma_wait3A_607 = tpu.memref_slice %arg6[%dma_wait3A_604, %dma_wait3A_605, %dma_wait3A_606] : memref<5x80x128xf32, #tpu.memory_space<vmem>> -> memref<1x80x128xf32, #tpu.memory_space<vmem>>
      %dma_wait3A_608 = tpu.memref_squeeze %dma_wait3A_607 : memref<1x80x128xf32, #tpu.memory_space<vmem>> -> memref<80x128xf32, #tpu.memory_space<vmem>>
      %dma_wait3A_609 = arith.constant 0 : i32
      %dma_wait3A_610 = arith.constant 0 : i32
      %dma_wait3A_611 = tpu.memref_slice %arg4[%dma_wait3A_609, %dma_wait3A_610] : memref<320000x128xf32, #tpu.memory_space<hbm>> -> memref<80x128xf32, #tpu.memory_space<hbm>>
      %dma_wait3A_612 = arith.constant 0 : i32
      %dma_wait3A_613 = arith.constant 0 : i32
      %dma_wait3A_614 = tpu.memref_slice %arg6[%dma_wait3A_604, %dma_wait3A_612, %dma_wait3A_613] : memref<5x80x128xf32, #tpu.memory_space<vmem>> -> memref<1x80x128xf32, #tpu.memory_space<vmem>>
      %dma_wait3A_615 = tpu.memref_squeeze %dma_wait3A_614 : memref<1x80x128xf32, #tpu.memory_space<vmem>> -> memref<80x128xf32, #tpu.memory_space<vmem>>
      %dma_wait3A_616 = arith.constant 0 : i32
      %dma_wait3A_617 = arith.constant 0 : i32
      %dma_wait3A_618 = tpu.memref_slice %arg4[%dma_wait3A_616, %dma_wait3A_617] : memref<320000x128xf32, #tpu.memory_space<hbm>> -> memref<80x128xf32, #tpu.memory_space<hbm>>
      tpu.wait_dma2 semaphore(%arg16 : memref<!tpu.dma_semaphore, #tpu.memory_space<semaphore_mem>>) src(%dma_wait3A_618 : memref<80x128xf32, #tpu.memory_space<hbm>>) dst(%dma_wait3A_615 : memref<80x128xf32, #tpu.memory_space<vmem>>)
      %add3A_619 = arith.constant 1 : i32
      %add3A_620 = arith.addi %scan3A_295, %add3A_619 : i32
      %mul3A_621 = arith.constant 5 : i32
      %mul3A_622 = arith.muli %mul3A_621, %add3A_620 : i32
      %add3A_623 = arith.constant 4 : i32
      %add3A_624 = arith.addi %mul3A_622, %add3A_623 : i32
      %dma_start3A_625 = arith.constant 4 : i32
      %dma_start3A_626 = arith.constant 0 : i32
      %dma_start3A_627 = arith.constant 0 : i32
      %dma_start3A_628 = tpu.memref_slice %arg6[%dma_start3A_625, %dma_start3A_626, %dma_start3A_627] : memref<5x80x128xf32, #tpu.memory_space<vmem>> -> memref<1x80x128xf32, #tpu.memory_space<vmem>>
      %dma_start3A_629 = tpu.memref_squeeze %dma_start3A_628 : memref<1x80x128xf32, #tpu.memory_space<vmem>> -> memref<80x128xf32, #tpu.memory_space<vmem>>
      %dma_start3A_630 = arith.constant 0 : i32
      %dma_start3A_631 = tpu.memref_slice %arg5[%add3A_624, %dma_start3A_630] : memref<125x80xi32, #tpu.memory_space<vmem>> -> memref<1x80xi32, #tpu.memory_space<vmem>>
      %dma_start3A_632 = tpu.memref_squeeze %dma_start3A_631 : memref<1x80xi32, #tpu.memory_space<vmem>> -> memref<80xi32, #tpu.memory_space<vmem>>
      %dma_start3A_633 = arith.constant 0 : i32
      %dma_start3A_634 = arith.constant 0 : i32
      %dma_start3A_635 = tpu.memref_slice %arg2[%dma_start3A_633, %dma_start3A_634] : memref<10000x128xf32, #tpu.memory_space<hbm>> -> memref<10000x128xf32, #tpu.memory_space<hbm>>
      tpu.enqueue_indirect_dma source(%dma_start3A_635 : memref<10000x128xf32, #tpu.memory_space<hbm>>) target(%dma_start3A_629 : memref<80x128xf32, #tpu.memory_space<vmem>>) offsets(%dma_start3A_632 : memref<80xi32, #tpu.memory_space<vmem>>) semaphore(%arg11 : memref<!tpu.dma_semaphore, #tpu.memory_space<semaphore_mem>>)
    }
    %scan3A_66 = arith.constant 24 : i32
    %dma_wait3A = arith.constant 0 : i32
    %dma_wait3A_67 = arith.constant 0 : i32
    %dma_wait3A_68 = arith.constant 0 : i32
    %dma_wait3A_69 = tpu.memref_slice %arg6[%dma_wait3A, %dma_wait3A_67, %dma_wait3A_68] : memref<5x80x128xf32, #tpu.memory_space<vmem>> -> memref<1x80x128xf32, #tpu.memory_space<vmem>>
    %dma_wait3A_70 = tpu.memref_squeeze %dma_wait3A_69 : memref<1x80x128xf32, #tpu.memory_space<vmem>> -> memref<80x128xf32, #tpu.memory_space<vmem>>
    %dma_wait3A_71 = arith.constant 0 : i32
    %dma_wait3A_72 = arith.constant 0 : i32
    %dma_wait3A_73 = tpu.memref_slice %arg4[%dma_wait3A_71, %dma_wait3A_72] : memref<320000x128xf32, #tpu.memory_space<hbm>> -> memref<80x128xf32, #tpu.memory_space<hbm>>
    %dma_wait3A_74 = arith.constant 0 : i32
    %dma_wait3A_75 = arith.constant 0 : i32
    %dma_wait3A_76 = tpu.memref_slice %arg6[%dma_wait3A, %dma_wait3A_74, %dma_wait3A_75] : memref<5x80x128xf32, #tpu.memory_space<vmem>> -> memref<1x80x128xf32, #tpu.memory_space<vmem>>
    %dma_wait3A_77 = tpu.memref_squeeze %dma_wait3A_76 : memref<1x80x128xf32, #tpu.memory_space<vmem>> -> memref<80x128xf32, #tpu.memory_space<vmem>>
    %dma_wait3A_78 = arith.constant 0 : i32
    %dma_wait3A_79 = arith.constant 0 : i32
    %dma_wait3A_80 = tpu.memref_slice %arg4[%dma_wait3A_78, %dma_wait3A_79] : memref<320000x128xf32, #tpu.memory_space<hbm>> -> memref<80x128xf32, #tpu.memory_space<hbm>>
    tpu.wait_dma2 semaphore(%arg7 : memref<!tpu.dma_semaphore, #tpu.memory_space<semaphore_mem>>) src(%dma_wait3A_80 : memref<80x128xf32, #tpu.memory_space<hbm>>) dst(%dma_wait3A_77 : memref<80x128xf32, #tpu.memory_space<vmem>>)
    %add3A_81 = arith.constant 9600 : i32
    %add3A_82 = arith.addi %mul3A_2, %add3A_81 : i32
    %multiple_of3A = tpu.assume_multiple %add3A_82, 8 : i32
    %dma_start3A_83 = arith.constant 0 : i32
    %dma_start3A_84 = arith.constant 0 : i32
    %dma_start3A_85 = arith.constant 0 : i32
    %dma_start3A_86 = tpu.memref_slice %arg6[%dma_start3A_83, %dma_start3A_84, %dma_start3A_85] : memref<5x80x128xf32, #tpu.memory_space<vmem>> -> memref<1x80x128xf32, #tpu.memory_space<vmem>>
    %dma_start3A_87 = tpu.memref_squeeze %dma_start3A_86 : memref<1x80x128xf32, #tpu.memory_space<vmem>> -> memref<80x128xf32, #tpu.memory_space<vmem>>
    %dma_start3A_88 = arith.constant 0 : i32
    %dma_start3A_89 = tpu.memref_slice %arg4[%multiple_of3A, %dma_start3A_88] : memref<320000x128xf32, #tpu.memory_space<hbm>> -> memref<80x128xf32, #tpu.memory_space<hbm>>
    %dma_start3A_90 = arith.constant 0 : i32
    %dma_start3A_91 = tpu.memref_slice %arg4[%multiple_of3A, %dma_start3A_90] : memref<320000x128xf32, #tpu.memory_space<hbm>> -> memref<80x128xf32, #tpu.memory_space<hbm>>
    %dma_start3A_92 = arith.constant 0 : i32
    %dma_start3A_93 = arith.constant 0 : i32
    %dma_start3A_94 = tpu.memref_slice %arg6[%dma_start3A_83, %dma_start3A_92, %dma_start3A_93] : memref<5x80x128xf32, #tpu.memory_space<vmem>> -> memref<1x80x128xf32, #tpu.memory_space<vmem>>
    %dma_start3A_95 = tpu.memref_squeeze %dma_start3A_94 : memref<1x80x128xf32, #tpu.memory_space<vmem>> -> memref<80x128xf32, #tpu.memory_space<vmem>>
    tpu.enqueue_dma source(%dma_start3A_95 : memref<80x128xf32, #tpu.memory_space<vmem>>) target(%dma_start3A_91 : memref<80x128xf32, #tpu.memory_space<hbm>>) target_semaphore(%arg12 : memref<!tpu.dma_semaphore, #tpu.memory_space<semaphore_mem>>)
    %dma_wait3A_96 = arith.constant 1 : i32
    %dma_wait3A_97 = arith.constant 0 : i32
    %dma_wait3A_98 = arith.constant 0 : i32
    %dma_wait3A_99 = tpu.memref_slice %arg6[%dma_wait3A_96, %dma_wait3A_97, %dma_wait3A_98] : memref<5x80x128xf32, #tpu.memory_space<vmem>> -> memref<1x80x128xf32, #tpu.memory_space<vmem>>
    %dma_wait3A_100 = tpu.memref_squeeze %dma_wait3A_99 : memref<1x80x128xf32, #tpu.memory_space<vmem>> -> memref<80x128xf32, #tpu.memory_space<vmem>>
    %dma_wait3A_101 = arith.constant 0 : i32
    %dma_wait3A_102 = arith.constant 0 : i32
    %dma_wait3A_103 = tpu.memref_slice %arg4[%dma_wait3A_101, %dma_wait3A_102] : memref<320000x128xf32, #tpu.memory_space<hbm>> -> memref<80x128xf32, #tpu.memory_space<hbm>>
    %dma_wait3A_104 = arith.constant 0 : i32
    %dma_wait3A_105 = arith.constant 0 : i32
    %dma_wait3A_106 = tpu.memref_slice %arg6[%dma_wait3A_96, %dma_wait3A_104, %dma_wait3A_105] : memref<5x80x128xf32, #tpu.memory_space<vmem>> -> memref<1x80x128xf32, #tpu.memory_space<vmem>>
    %dma_wait3A_107 = tpu.memref_squeeze %dma_wait3A_106 : memref<1x80x128xf32, #tpu.memory_space<vmem>> -> memref<80x128xf32, #tpu.memory_space<vmem>>
    %dma_wait3A_108 = arith.constant 0 : i32
    %dma_wait3A_109 = arith.constant 0 : i32
    %dma_wait3A_110 = tpu.memref_slice %arg4[%dma_wait3A_108, %dma_wait3A_109] : memref<320000x128xf32, #tpu.memory_space<hbm>> -> memref<80x128xf32, #tpu.memory_space<hbm>>
    tpu.wait_dma2 semaphore(%arg8 : memref<!tpu.dma_semaphore, #tpu.memory_space<semaphore_mem>>) src(%dma_wait3A_110 : memref<80x128xf32, #tpu.memory_space<hbm>>) dst(%dma_wait3A_107 : memref<80x128xf32, #tpu.memory_space<vmem>>)
    %add3A_111 = arith.constant 9680 : i32
    %add3A_112 = arith.addi %mul3A_2, %add3A_111 : i32
    %multiple_of3A_113 = tpu.assume_multiple %add3A_112, 8 : i32
    %dma_start3A_114 = arith.constant 1 : i32
    %dma_start3A_115 = arith.constant 0 : i32
    %dma_start3A_116 = arith.constant 0 : i32
    %dma_start3A_117 = tpu.memref_slice %arg6[%dma_start3A_114, %dma_start3A_115, %dma_start3A_116] : memref<5x80x128xf32, #tpu.memory_space<vmem>> -> memref<1x80x128xf32, #tpu.memory_space<vmem>>
    %dma_start3A_118 = tpu.memref_squeeze %dma_start3A_117 : memref<1x80x128xf32, #tpu.memory_space<vmem>> -> memref<80x128xf32, #tpu.memory_space<vmem>>
    %dma_start3A_119 = arith.constant 0 : i32
    %dma_start3A_120 = tpu.memref_slice %arg4[%multiple_of3A_113, %dma_start3A_119] : memref<320000x128xf32, #tpu.memory_space<hbm>> -> memref<80x128xf32, #tpu.memory_space<hbm>>
    %dma_start3A_121 = arith.constant 0 : i32
    %dma_start3A_122 = tpu.memref_slice %arg4[%multiple_of3A_113, %dma_start3A_121] : memref<320000x128xf32, #tpu.memory_space<hbm>> -> memref<80x128xf32, #tpu.memory_space<hbm>>
    %dma_start3A_123 = arith.constant 0 : i32
    %dma_start3A_124 = arith.constant 0 : i32
    %dma_start3A_125 = tpu.memref_slice %arg6[%dma_start3A_114, %dma_start3A_123, %dma_start3A_124] : memref<5x80x128xf32, #tpu.memory_space<vmem>> -> memref<1x80x128xf32, #tpu.memory_space<vmem>>
    %dma_start3A_126 = tpu.memref_squeeze %dma_start3A_125 : memref<1x80x128xf32, #tpu.memory_space<vmem>> -> memref<80x128xf32, #tpu.memory_space<vmem>>
    tpu.enqueue_dma source(%dma_start3A_126 : memref<80x128xf32, #tpu.memory_space<vmem>>) target(%dma_start3A_122 : memref<80x128xf32, #tpu.memory_space<hbm>>) target_semaphore(%arg13 : memref<!tpu.dma_semaphore, #tpu.memory_space<semaphore_mem>>)
    %dma_wait3A_127 = arith.constant 2 : i32
    %dma_wait3A_128 = arith.constant 0 : i32
    %dma_wait3A_129 = arith.constant 0 : i32
    %dma_wait3A_130 = tpu.memref_slice %arg6[%dma_wait3A_127, %dma_wait3A_128, %dma_wait3A_129] : memref<5x80x128xf32, #tpu.memory_space<vmem>> -> memref<1x80x128xf32, #tpu.memory_space<vmem>>
    %dma_wait3A_131 = tpu.memref_squeeze %dma_wait3A_130 : memref<1x80x128xf32, #tpu.memory_space<vmem>> -> memref<80x128xf32, #tpu.memory_space<vmem>>
    %dma_wait3A_132 = arith.constant 0 : i32
    %dma_wait3A_133 = arith.constant 0 : i32
    %dma_wait3A_134 = tpu.memref_slice %arg4[%dma_wait3A_132, %dma_wait3A_133] : memref<320000x128xf32, #tpu.memory_space<hbm>> -> memref<80x128xf32, #tpu.memory_space<hbm>>
    %dma_wait3A_135 = arith.constant 0 : i32
    %dma_wait3A_136 = arith.constant 0 : i32
    %dma_wait3A_137 = tpu.memref_slice %arg6[%dma_wait3A_127, %dma_wait3A_135, %dma_wait3A_136] : memref<5x80x128xf32, #tpu.memory_space<vmem>> -> memref<1x80x128xf32, #tpu.memory_space<vmem>>
    %dma_wait3A_138 = tpu.memref_squeeze %dma_wait3A_137 : memref<1x80x128xf32, #tpu.memory_space<vmem>> -> memref<80x128xf32, #tpu.memory_space<vmem>>
    %dma_wait3A_139 = arith.constant 0 : i32
    %dma_wait3A_140 = arith.constant 0 : i32
    %dma_wait3A_141 = tpu.memref_slice %arg4[%dma_wait3A_139, %dma_wait3A_140] : memref<320000x128xf32, #tpu.memory_space<hbm>> -> memref<80x128xf32, #tpu.memory_space<hbm>>
    tpu.wait_dma2 semaphore(%arg9 : memref<!tpu.dma_semaphore, #tpu.memory_space<semaphore_mem>>) src(%dma_wait3A_141 : memref<80x128xf32, #tpu.memory_space<hbm>>) dst(%dma_wait3A_138 : memref<80x128xf32, #tpu.memory_space<vmem>>)
    %add3A_142 = arith.constant 9760 : i32
    %add3A_143 = arith.addi %mul3A_2, %add3A_142 : i32
    %multiple_of3A_144 = tpu.assume_multiple %add3A_143, 8 : i32
    %dma_start3A_145 = arith.constant 2 : i32
    %dma_start3A_146 = arith.constant 0 : i32
    %dma_start3A_147 = arith.constant 0 : i32
    %dma_start3A_148 = tpu.memref_slice %arg6[%dma_start3A_145, %dma_start3A_146, %dma_start3A_147] : memref<5x80x128xf32, #tpu.memory_space<vmem>> -> memref<1x80x128xf32, #tpu.memory_space<vmem>>
    %dma_start3A_149 = tpu.memref_squeeze %dma_start3A_148 : memref<1x80x128xf32, #tpu.memory_space<vmem>> -> memref<80x128xf32, #tpu.memory_space<vmem>>
    %dma_start3A_150 = arith.constant 0 : i32
    %dma_start3A_151 = tpu.memref_slice %arg4[%multiple_of3A_144, %dma_start3A_150] : memref<320000x128xf32, #tpu.memory_space<hbm>> -> memref<80x128xf32, #tpu.memory_space<hbm>>
    %dma_start3A_152 = arith.constant 0 : i32
    %dma_start3A_153 = tpu.memref_slice %arg4[%multiple_of3A_144, %dma_start3A_152] : memref<320000x128xf32, #tpu.memory_space<hbm>> -> memref<80x128xf32, #tpu.memory_space<hbm>>
    %dma_start3A_154 = arith.constant 0 : i32
    %dma_start3A_155 = arith.constant 0 : i32
    %dma_start3A_156 = tpu.memref_slice %arg6[%dma_start3A_145, %dma_start3A_154, %dma_start3A_155] : memref<5x80x128xf32, #tpu.memory_space<vmem>> -> memref<1x80x128xf32, #tpu.memory_space<vmem>>
    %dma_start3A_157 = tpu.memref_squeeze %dma_start3A_156 : memref<1x80x128xf32, #tpu.memory_space<vmem>> -> memref<80x128xf32, #tpu.memory_space<vmem>>
    tpu.enqueue_dma source(%dma_start3A_157 : memref<80x128xf32, #tpu.memory_space<vmem>>) target(%dma_start3A_153 : memref<80x128xf32, #tpu.memory_space<hbm>>) target_semaphore(%arg14 : memref<!tpu.dma_semaphore, #tpu.memory_space<semaphore_mem>>)
    %dma_wait3A_158 = arith.constant 3 : i32
    %dma_wait3A_159 = arith.constant 0 : i32
    %dma_wait3A_160 = arith.constant 0 : i32
    %dma_wait3A_161 = tpu.memref_slice %arg6[%dma_wait3A_158, %dma_wait3A_159, %dma_wait3A_160] : memref<5x80x128xf32, #tpu.memory_space<vmem>> -> memref<1x80x128xf32, #tpu.memory_space<vmem>>
    %dma_wait3A_162 = tpu.memref_squeeze %dma_wait3A_161 : memref<1x80x128xf32, #tpu.memory_space<vmem>> -> memref<80x128xf32, #tpu.memory_space<vmem>>
    %dma_wait3A_163 = arith.constant 0 : i32
    %dma_wait3A_164 = arith.constant 0 : i32
    %dma_wait3A_165 = tpu.memref_slice %arg4[%dma_wait3A_163, %dma_wait3A_164] : memref<320000x128xf32, #tpu.memory_space<hbm>> -> memref<80x128xf32, #tpu.memory_space<hbm>>
    %dma_wait3A_166 = arith.constant 0 : i32
    %dma_wait3A_167 = arith.constant 0 : i32
    %dma_wait3A_168 = tpu.memref_slice %arg6[%dma_wait3A_158, %dma_wait3A_166, %dma_wait3A_167] : memref<5x80x128xf32, #tpu.memory_space<vmem>> -> memref<1x80x128xf32, #tpu.memory_space<vmem>>
    %dma_wait3A_169 = tpu.memref_squeeze %dma_wait3A_168 : memref<1x80x128xf32, #tpu.memory_space<vmem>> -> memref<80x128xf32, #tpu.memory_space<vmem>>
    %dma_wait3A_170 = arith.constant 0 : i32
    %dma_wait3A_171 = arith.constant 0 : i32
    %dma_wait3A_172 = tpu.memref_slice %arg4[%dma_wait3A_170, %dma_wait3A_171] : memref<320000x128xf32, #tpu.memory_space<hbm>> -> memref<80x128xf32, #tpu.memory_space<hbm>>
    tpu.wait_dma2 semaphore(%arg10 : memref<!tpu.dma_semaphore, #tpu.memory_space<semaphore_mem>>) src(%dma_wait3A_172 : memref<80x128xf32, #tpu.memory_space<hbm>>) dst(%dma_wait3A_169 : memref<80x128xf32, #tpu.memory_space<vmem>>)
    %add3A_173 = arith.constant 9840 : i32
    %add3A_174 = arith.addi %mul3A_2, %add3A_173 : i32
    %multiple_of3A_175 = tpu.assume_multiple %add3A_174, 8 : i32
    %dma_start3A_176 = arith.constant 3 : i32
    %dma_start3A_177 = arith.constant 0 : i32
    %dma_start3A_178 = arith.constant 0 : i32
    %dma_start3A_179 = tpu.memref_slice %arg6[%dma_start3A_176, %dma_start3A_177, %dma_start3A_178] : memref<5x80x128xf32, #tpu.memory_space<vmem>> -> memref<1x80x128xf32, #tpu.memory_space<vmem>>
    %dma_start3A_180 = tpu.memref_squeeze %dma_start3A_179 : memref<1x80x128xf32, #tpu.memory_space<vmem>> -> memref<80x128xf32, #tpu.memory_space<vmem>>
    %dma_start3A_181 = arith.constant 0 : i32
    %dma_start3A_182 = tpu.memref_slice %arg4[%multiple_of3A_175, %dma_start3A_181] : memref<320000x128xf32, #tpu.memory_space<hbm>> -> memref<80x128xf32, #tpu.memory_space<hbm>>
    %dma_start3A_183 = arith.constant 0 : i32
    %dma_start3A_184 = tpu.memref_slice %arg4[%multiple_of3A_175, %dma_start3A_183] : memref<320000x128xf32, #tpu.memory_space<hbm>> -> memref<80x128xf32, #tpu.memory_space<hbm>>
    %dma_start3A_185 = arith.constant 0 : i32
    %dma_start3A_186 = arith.constant 0 : i32
    %dma_start3A_187 = tpu.memref_slice %arg6[%dma_start3A_176, %dma_start3A_185, %dma_start3A_186] : memref<5x80x128xf32, #tpu.memory_space<vmem>> -> memref<1x80x128xf32, #tpu.memory_space<vmem>>
    %dma_start3A_188 = tpu.memref_squeeze %dma_start3A_187 : memref<1x80x128xf32, #tpu.memory_space<vmem>> -> memref<80x128xf32, #tpu.memory_space<vmem>>
    tpu.enqueue_dma source(%dma_start3A_188 : memref<80x128xf32, #tpu.memory_space<vmem>>) target(%dma_start3A_184 : memref<80x128xf32, #tpu.memory_space<hbm>>) target_semaphore(%arg15 : memref<!tpu.dma_semaphore, #tpu.memory_space<semaphore_mem>>)
    %dma_wait3A_189 = arith.constant 4 : i32
    %dma_wait3A_190 = arith.constant 0 : i32
    %dma_wait3A_191 = arith.constant 0 : i32
    %dma_wait3A_192 = tpu.memref_slice %arg6[%dma_wait3A_189, %dma_wait3A_190, %dma_wait3A_191] : memref<5x80x128xf32, #tpu.memory_space<vmem>> -> memref<1x80x128xf32, #tpu.memory_space<vmem>>
    %dma_wait3A_193 = tpu.memref_squeeze %dma_wait3A_192 : memref<1x80x128xf32, #tpu.memory_space<vmem>> -> memref<80x128xf32, #tpu.memory_space<vmem>>
    %dma_wait3A_194 = arith.constant 0 : i32
    %dma_wait3A_195 = arith.constant 0 : i32
    %dma_wait3A_196 = tpu.memref_slice %arg4[%dma_wait3A_194, %dma_wait3A_195] : memref<320000x128xf32, #tpu.memory_space<hbm>> -> memref<80x128xf32, #tpu.memory_space<hbm>>
    %dma_wait3A_197 = arith.constant 0 : i32
    %dma_wait3A_198 = arith.constant 0 : i32
    %dma_wait3A_199 = tpu.memref_slice %arg6[%dma_wait3A_189, %dma_wait3A_197, %dma_wait3A_198] : memref<5x80x128xf32, #tpu.memory_space<vmem>> -> memref<1x80x128xf32, #tpu.memory_space<vmem>>
    %dma_wait3A_200 = tpu.memref_squeeze %dma_wait3A_199 : memref<1x80x128xf32, #tpu.memory_space<vmem>> -> memref<80x128xf32, #tpu.memory_space<vmem>>
    %dma_wait3A_201 = arith.constant 0 : i32
    %dma_wait3A_202 = arith.constant 0 : i32
    %dma_wait3A_203 = tpu.memref_slice %arg4[%dma_wait3A_201, %dma_wait3A_202] : memref<320000x128xf32, #tpu.memory_space<hbm>> -> memref<80x128xf32, #tpu.memory_space<hbm>>
    tpu.wait_dma2 semaphore(%arg11 : memref<!tpu.dma_semaphore, #tpu.memory_space<semaphore_mem>>) src(%dma_wait3A_203 : memref<80x128xf32, #tpu.memory_space<hbm>>) dst(%dma_wait3A_200 : memref<80x128xf32, #tpu.memory_space<vmem>>)
    %add3A_204 = arith.constant 9920 : i32
    %add3A_205 = arith.addi %mul3A_2, %add3A_204 : i32
    %multiple_of3A_206 = tpu.assume_multiple %add3A_205, 8 : i32
    %dma_start3A_207 = arith.constant 4 : i32
    %dma_start3A_208 = arith.constant 0 : i32
    %dma_start3A_209 = arith.constant 0 : i32
    %dma_start3A_210 = tpu.memref_slice %arg6[%dma_start3A_207, %dma_start3A_208, %dma_start3A_209] : memref<5x80x128xf32, #tpu.memory_space<vmem>> -> memref<1x80x128xf32, #tpu.memory_space<vmem>>
    %dma_start3A_211 = tpu.memref_squeeze %dma_start3A_210 : memref<1x80x128xf32, #tpu.memory_space<vmem>> -> memref<80x128xf32, #tpu.memory_space<vmem>>
    %dma_start3A_212 = arith.constant 0 : i32
    %dma_start3A_213 = tpu.memref_slice %arg4[%multiple_of3A_206, %dma_start3A_212] : memref<320000x128xf32, #tpu.memory_space<hbm>> -> memref<80x128xf32, #tpu.memory_space<hbm>>
    %dma_start3A_214 = arith.constant 0 : i32
    %dma_start3A_215 = tpu.memref_slice %arg4[%multiple_of3A_206, %dma_start3A_214] : memref<320000x128xf32, #tpu.memory_space<hbm>> -> memref<80x128xf32, #tpu.memory_space<hbm>>
    %dma_start3A_216 = arith.constant 0 : i32
    %dma_start3A_217 = arith.constant 0 : i32
    %dma_start3A_218 = tpu.memref_slice %arg6[%dma_start3A_207, %dma_start3A_216, %dma_start3A_217] : memref<5x80x128xf32, #tpu.memory_space<vmem>> -> memref<1x80x128xf32, #tpu.memory_space<vmem>>
    %dma_start3A_219 = tpu.memref_squeeze %dma_start3A_218 : memref<1x80x128xf32, #tpu.memory_space<vmem>> -> memref<80x128xf32, #tpu.memory_space<vmem>>
    tpu.enqueue_dma source(%dma_start3A_219 : memref<80x128xf32, #tpu.memory_space<vmem>>) target(%dma_start3A_215 : memref<80x128xf32, #tpu.memory_space<hbm>>) target_semaphore(%arg16 : memref<!tpu.dma_semaphore, #tpu.memory_space<semaphore_mem>>)
    %dma_wait3A_220 = arith.constant 0 : i32
    %dma_wait3A_221 = arith.constant 0 : i32
    %dma_wait3A_222 = arith.constant 0 : i32
    %dma_wait3A_223 = tpu.memref_slice %arg6[%dma_wait3A_220, %dma_wait3A_221, %dma_wait3A_222] : memref<5x80x128xf32, #tpu.memory_space<vmem>> -> memref<1x80x128xf32, #tpu.memory_space<vmem>>
    %dma_wait3A_224 = tpu.memref_squeeze %dma_wait3A_223 : memref<1x80x128xf32, #tpu.memory_space<vmem>> -> memref<80x128xf32, #tpu.memory_space<vmem>>
    %dma_wait3A_225 = arith.constant 0 : i32
    %dma_wait3A_226 = arith.constant 0 : i32
    %dma_wait3A_227 = tpu.memref_slice %arg4[%dma_wait3A_225, %dma_wait3A_226] : memref<320000x128xf32, #tpu.memory_space<hbm>> -> memref<80x128xf32, #tpu.memory_space<hbm>>
    %dma_wait3A_228 = arith.constant 0 : i32
    %dma_wait3A_229 = arith.constant 0 : i32
    %dma_wait3A_230 = tpu.memref_slice %arg6[%dma_wait3A_220, %dma_wait3A_228, %dma_wait3A_229] : memref<5x80x128xf32, #tpu.memory_space<vmem>> -> memref<1x80x128xf32, #tpu.memory_space<vmem>>
    %dma_wait3A_231 = tpu.memref_squeeze %dma_wait3A_230 : memref<1x80x128xf32, #tpu.memory_space<vmem>> -> memref<80x128xf32, #tpu.memory_space<vmem>>
    %dma_wait3A_232 = arith.constant 0 : i32
    %dma_wait3A_233 = arith.constant 0 : i32
    %dma_wait3A_234 = tpu.memref_slice %arg4[%dma_wait3A_232, %dma_wait3A_233] : memref<320000x128xf32, #tpu.memory_space<hbm>> -> memref<80x128xf32, #tpu.memory_space<hbm>>
    tpu.wait_dma2 semaphore(%arg12 : memref<!tpu.dma_semaphore, #tpu.memory_space<semaphore_mem>>) src(%dma_wait3A_234 : memref<80x128xf32, #tpu.memory_space<hbm>>) dst(%dma_wait3A_231 : memref<80x128xf32, #tpu.memory_space<vmem>>)
    %dma_wait3A_235 = arith.constant 1 : i32
    %dma_wait3A_236 = arith.constant 0 : i32
    %dma_wait3A_237 = arith.constant 0 : i32
    %dma_wait3A_238 = tpu.memref_slice %arg6[%dma_wait3A_235, %dma_wait3A_236, %dma_wait3A_237] : memref<5x80x128xf32, #tpu.memory_space<vmem>> -> memref<1x80x128xf32, #tpu.memory_space<vmem>>
    %dma_wait3A_239 = tpu.memref_squeeze %dma_wait3A_238 : memref<1x80x128xf32, #tpu.memory_space<vmem>> -> memref<80x128xf32, #tpu.memory_space<vmem>>
    %dma_wait3A_240 = arith.constant 0 : i32
    %dma_wait3A_241 = arith.constant 0 : i32
    %dma_wait3A_242 = tpu.memref_slice %arg4[%dma_wait3A_240, %dma_wait3A_241] : memref<320000x128xf32, #tpu.memory_space<hbm>> -> memref<80x128xf32, #tpu.memory_space<hbm>>
    %dma_wait3A_243 = arith.constant 0 : i32
    %dma_wait3A_244 = arith.constant 0 : i32
    %dma_wait3A_245 = tpu.memref_slice %arg6[%dma_wait3A_235, %dma_wait3A_243, %dma_wait3A_244] : memref<5x80x128xf32, #tpu.memory_space<vmem>> -> memref<1x80x128xf32, #tpu.memory_space<vmem>>
    %dma_wait3A_246 = tpu.memref_squeeze %dma_wait3A_245 : memref<1x80x128xf32, #tpu.memory_space<vmem>> -> memref<80x128xf32, #tpu.memory_space<vmem>>
    %dma_wait3A_247 = arith.constant 0 : i32
    %dma_wait3A_248 = arith.constant 0 : i32
    %dma_wait3A_249 = tpu.memref_slice %arg4[%dma_wait3A_247, %dma_wait3A_248] : memref<320000x128xf32, #tpu.memory_space<hbm>> -> memref<80x128xf32, #tpu.memory_space<hbm>>
    tpu.wait_dma2 semaphore(%arg13 : memref<!tpu.dma_semaphore, #tpu.memory_space<semaphore_mem>>) src(%dma_wait3A_249 : memref<80x128xf32, #tpu.memory_space<hbm>>) dst(%dma_wait3A_246 : memref<80x128xf32, #tpu.memory_space<vmem>>)
    %dma_wait3A_250 = arith.constant 2 : i32
    %dma_wait3A_251 = arith.constant 0 : i32
    %dma_wait3A_252 = arith.constant 0 : i32
    %dma_wait3A_253 = tpu.memref_slice %arg6[%dma_wait3A_250, %dma_wait3A_251, %dma_wait3A_252] : memref<5x80x128xf32, #tpu.memory_space<vmem>> -> memref<1x80x128xf32, #tpu.memory_space<vmem>>
    %dma_wait3A_254 = tpu.memref_squeeze %dma_wait3A_253 : memref<1x80x128xf32, #tpu.memory_space<vmem>> -> memref<80x128xf32, #tpu.memory_space<vmem>>
    %dma_wait3A_255 = arith.constant 0 : i32
    %dma_wait3A_256 = arith.constant 0 : i32
    %dma_wait3A_257 = tpu.memref_slice %arg4[%dma_wait3A_255, %dma_wait3A_256] : memref<320000x128xf32, #tpu.memory_space<hbm>> -> memref<80x128xf32, #tpu.memory_space<hbm>>
    %dma_wait3A_258 = arith.constant 0 : i32
    %dma_wait3A_259 = arith.constant 0 : i32
    %dma_wait3A_260 = tpu.memref_slice %arg6[%dma_wait3A_250, %dma_wait3A_258, %dma_wait3A_259] : memref<5x80x128xf32, #tpu.memory_space<vmem>> -> memref<1x80x128xf32, #tpu.memory_space<vmem>>
    %dma_wait3A_261 = tpu.memref_squeeze %dma_wait3A_260 : memref<1x80x128xf32, #tpu.memory_space<vmem>> -> memref<80x128xf32, #tpu.memory_space<vmem>>
    %dma_wait3A_262 = arith.constant 0 : i32
    %dma_wait3A_263 = arith.constant 0 : i32
    %dma_wait3A_264 = tpu.memref_slice %arg4[%dma_wait3A_262, %dma_wait3A_263] : memref<320000x128xf32, #tpu.memory_space<hbm>> -> memref<80x128xf32, #tpu.memory_space<hbm>>
    tpu.wait_dma2 semaphore(%arg14 : memref<!tpu.dma_semaphore, #tpu.memory_space<semaphore_mem>>) src(%dma_wait3A_264 : memref<80x128xf32, #tpu.memory_space<hbm>>) dst(%dma_wait3A_261 : memref<80x128xf32, #tpu.memory_space<vmem>>)
    %dma_wait3A_265 = arith.constant 3 : i32
    %dma_wait3A_266 = arith.constant 0 : i32
    %dma_wait3A_267 = arith.constant 0 : i32
    %dma_wait3A_268 = tpu.memref_slice %arg6[%dma_wait3A_265, %dma_wait3A_266, %dma_wait3A_267] : memref<5x80x128xf32, #tpu.memory_space<vmem>> -> memref<1x80x128xf32, #tpu.memory_space<vmem>>
    %dma_wait3A_269 = tpu.memref_squeeze %dma_wait3A_268 : memref<1x80x128xf32, #tpu.memory_space<vmem>> -> memref<80x128xf32, #tpu.memory_space<vmem>>
    %dma_wait3A_270 = arith.constant 0 : i32
    %dma_wait3A_271 = arith.constant 0 : i32
    %dma_wait3A_272 = tpu.memref_slice %arg4[%dma_wait3A_270, %dma_wait3A_271] : memref<320000x128xf32, #tpu.memory_space<hbm>> -> memref<80x128xf32, #tpu.memory_space<hbm>>
    %dma_wait3A_273 = arith.constant 0 : i32
    %dma_wait3A_274 = arith.constant 0 : i32
    %dma_wait3A_275 = tpu.memref_slice %arg6[%dma_wait3A_265, %dma_wait3A_273, %dma_wait3A_274] : memref<5x80x128xf32, #tpu.memory_space<vmem>> -> memref<1x80x128xf32, #tpu.memory_space<vmem>>
    %dma_wait3A_276 = tpu.memref_squeeze %dma_wait3A_275 : memref<1x80x128xf32, #tpu.memory_space<vmem>> -> memref<80x128xf32, #tpu.memory_space<vmem>>
    %dma_wait3A_277 = arith.constant 0 : i32
    %dma_wait3A_278 = arith.constant 0 : i32
    %dma_wait3A_279 = tpu.memref_slice %arg4[%dma_wait3A_277, %dma_wait3A_278] : memref<320000x128xf32, #tpu.memory_space<hbm>> -> memref<80x128xf32, #tpu.memory_space<hbm>>
    tpu.wait_dma2 semaphore(%arg15 : memref<!tpu.dma_semaphore, #tpu.memory_space<semaphore_mem>>) src(%dma_wait3A_279 : memref<80x128xf32, #tpu.memory_space<hbm>>) dst(%dma_wait3A_276 : memref<80x128xf32, #tpu.memory_space<vmem>>)
    %dma_wait3A_280 = arith.constant 4 : i32
    %dma_wait3A_281 = arith.constant 0 : i32
    %dma_wait3A_282 = arith.constant 0 : i32
    %dma_wait3A_283 = tpu.memref_slice %arg6[%dma_wait3A_280, %dma_wait3A_281, %dma_wait3A_282] : memref<5x80x128xf32, #tpu.memory_space<vmem>> -> memref<1x80x128xf32, #tpu.memory_space<vmem>>
    %dma_wait3A_284 = tpu.memref_squeeze %dma_wait3A_283 : memref<1x80x128xf32, #tpu.memory_space<vmem>> -> memref<80x128xf32, #tpu.memory_space<vmem>>
    %dma_wait3A_285 = arith.constant 0 : i32
    %dma_wait3A_286 = arith.constant 0 : i32
    %dma_wait3A_287 = tpu.memref_slice %arg4[%dma_wait3A_285, %dma_wait3A_286] : memref<320000x128xf32, #tpu.memory_space<hbm>> -> memref<80x128xf32, #tpu.memory_space<hbm>>
    %dma_wait3A_288 = arith.constant 0 : i32
    %dma_wait3A_289 = arith.constant 0 : i32
    %dma_wait3A_290 = tpu.memref_slice %arg6[%dma_wait3A_280, %dma_wait3A_288, %dma_wait3A_289] : memref<5x80x128xf32, #tpu.memory_space<vmem>> -> memref<1x80x128xf32, #tpu.memory_space<vmem>>
    %dma_wait3A_291 = tpu.memref_squeeze %dma_wait3A_290 : memref<1x80x128xf32, #tpu.memory_space<vmem>> -> memref<80x128xf32, #tpu.memory_space<vmem>>
    %dma_wait3A_292 = arith.constant 0 : i32
    %dma_wait3A_293 = arith.constant 0 : i32
    %dma_wait3A_294 = tpu.memref_slice %arg4[%dma_wait3A_292, %dma_wait3A_293] : memref<320000x128xf32, #tpu.memory_space<hbm>> -> memref<80x128xf32, #tpu.memory_space<hbm>>
    tpu.wait_dma2 semaphore(%arg16 : memref<!tpu.dma_semaphore, #tpu.memory_space<semaphore_mem>>) src(%dma_wait3A_294 : memref<80x128xf32, #tpu.memory_space<hbm>>) dst(%dma_wait3A_291 : memref<80x128xf32, #tpu.memory_space<vmem>>)
    return
  }
}

module attributes {stable_mosaic.version = 14 : i64} {
  func.func @_in2f_body(%arg0: i32, %arg1: memref<2000x128xf32, #tpu.memory_space<vmem>>, %arg2: memref<128x128xf32, #tpu.memory_space<vmem>>, %arg3: memref<2000x128xf32, #tpu.memory_space<vmem>>) attributes {dimension_semantics = [#tpu.dimension_semantics<arbitrary>], iteration_bounds = array<i64: 5>, scalar_prefetch = 0 : i64, scratch_operands = 0 : i64, tpu.core_type = #tpu.core_type<tc>, window_params = [{transform_indices = @transform_0, window_bounds = array<i64: 2000, 128>}, {pipeline_mode = #tpu.pipeline_mode<synchronous>, transform_indices = @transform_1, window_bounds = array<i64: 128, 128>}, {transform_indices = @transform_2, window_bounds = array<i64: 2000, 128>}]} {
    %get3A = arith.constant 0 : index
    %get3A_0 = arith.constant 0 : index
    %get3A_1 = vector.load %arg1[%get3A, %get3A_0] : memref<2000x128xf32, #tpu.memory_space<vmem>>, vector<2000x128xf32>
    %get3A_2 = arith.constant 0 : index
    %get3A_3 = arith.constant 0 : index
    %get3A_4 = vector.load %arg2[%get3A_2, %get3A_3] : memref<128x128xf32, #tpu.memory_space<vmem>>, vector<128x128xf32>
    %dot_general3A = arith.constant dense<0.000000e+00> : vector<2000x128xf32>
    %dot_general3A_5 = tpu.matmul %get3A_1, %get3A_4, %dot_general3A {dimension_numbers = #tpu.dot_dimension_numbers<[1], [0], [0], [1], [0, 0, 1, 1], [], []>, transpose_lhs_hint = false} : vector<2000x128xf32>, vector<128x128xf32>, vector<2000x128xf32> -> vector<2000x128xf32>
    %swap3A = arith.constant 0 : index
    %swap3A_6 = arith.constant 0 : index
    %swap3A_7 = vector.load %arg3[%swap3A, %swap3A_6] : memref<2000x128xf32, #tpu.memory_space<vmem>>, vector<2000x128xf32>
    tpu.vector_store %arg3[%swap3A, %swap3A_6], %dot_general3A_5 {strides = array<i32>} : memref<2000x128xf32, #tpu.memory_space<vmem>>, vector<2000x128xf32>,
    return
  }
  func.func @transform_0(%arg0: i32) -> (i32, i32) {
    %c0_i32 = arith.constant 0 : i32
    %c0_i32_0 = arith.constant 0 : i32
    return %arg0, %c0_i32 : i32, i32
  }
  func.func @transform_1(%arg0: i32) -> (i32, i32) {
    %c0_i32 = arith.constant 0 : i32
    %c0_i32_0 = arith.constant 0 : i32
    %c0_i32_1 = arith.constant 0 : i32
    return %c0_i32, %c0_i32_0 : i32, i32
  }
  func.func @transform_2(%arg0: i32) -> (i32, i32) {
    %c0_i32 = arith.constant 0 : i32
    %c0_i32_0 = arith.constant 0 : i32
    return %arg0, %c0_i32 : i32, i32
  }
}

module attributes {stable_mosaic.version = 14 : i64} {
  func.func @_fused_body(%arg0: i32, %arg1: memref<6400x128xf32, #tpu.memory_space<vmem>>, %arg2: memref<6400x128xf32, #tpu.memory_space<vmem>>, %arg3: memref<200x32xf32, #tpu.memory_space<vmem>>, %arg4: memref<128x128xf32, #tpu.memory_space<vmem>>, %arg5: memref<1x128xf32, #tpu.memory_space<vmem>>, %arg6: memref<128x128xf32, #tpu.memory_space<vmem>>, %arg7: memref<1x128xf32, #tpu.memory_space<vmem>>, %arg8: memref<128x128xf32, #tpu.memory_space<vmem>>, %arg9: memref<1x128xf32, #tpu.memory_space<vmem>>, %arg10: memref<128x128xf32, #tpu.memory_space<vmem>>, %arg11: memref<1x128xf32, #tpu.memory_space<vmem>>, %arg12: memref<200x128xf32, #tpu.memory_space<vmem>>) attributes {dimension_semantics = [#tpu.dimension_semantics<arbitrary>], iteration_bounds = array<i64: 50>, scalar_prefetch = 0 : i64, scratch_operands = 0 : i64, tpu.core_type = #tpu.core_type<tc>, window_params = [{transform_indices = @transform_0, window_bounds = array<i64: 6400, 128>}, {transform_indices = @transform_1, window_bounds = array<i64: 6400, 128>}, {transform_indices = @transform_2, window_bounds = array<i64: 200, 32>}, {pipeline_mode = #tpu.pipeline_mode<synchronous>, transform_indices = @transform_3, window_bounds = array<i64: 128, 128>}, {pipeline_mode = #tpu.pipeline_mode<synchronous>, transform_indices = @transform_4, window_bounds = array<i64: 1, 128>}, {pipeline_mode = #tpu.pipeline_mode<synchronous>, transform_indices = @transform_5, window_bounds = array<i64: 128, 128>}, {pipeline_mode = #tpu.pipeline_mode<synchronous>, transform_indices = @transform_6, window_bounds = array<i64: 1, 128>}, {pipeline_mode = #tpu.pipeline_mode<synchronous>, transform_indices = @transform_7, window_bounds = array<i64: 128, 128>}, {pipeline_mode = #tpu.pipeline_mode<synchronous>, transform_indices = @transform_8, window_bounds = array<i64: 1, 128>}, {pipeline_mode = #tpu.pipeline_mode<synchronous>, transform_indices = @transform_9, window_bounds = array<i64: 128, 128>}, {pipeline_mode = #tpu.pipeline_mode<synchronous>, transform_indices = @transform_10, window_bounds = array<i64: 1, 128>}, {transform_indices = @transform_11, window_bounds = array<i64: 200, 128>}]} {
    %get3A = arith.constant 0 : index
    %get3A_0 = arith.constant 0 : index
    %get3A_1 = vector.load %arg1[%get3A, %get3A_0] : memref<6400x128xf32, #tpu.memory_space<vmem>>, vector<6400x128xf32>
    %get3A_2 = arith.constant 0 : index
    %get3A_3 = arith.constant 0 : index
    %get3A_4 = vector.load %arg4[%get3A_2, %get3A_3] : memref<128x128xf32, #tpu.memory_space<vmem>>, vector<128x128xf32>
    %dot_general3A = arith.constant dense<0.000000e+00> : vector<6400x128xf32>
    %dot_general3A_5 = tpu.matmul %get3A_1, %get3A_4, %dot_general3A {dimension_numbers = #tpu.dot_dimension_numbers<[1], [0], [0], [1], [0, 0, 1, 1], [], []>, transpose_lhs_hint = false} : vector<6400x128xf32>, vector<128x128xf32>, vector<6400x128xf32> -> vector<6400x128xf32>
    %get3A_6 = arith.constant 0 : index
    %get3A_7 = arith.constant 0 : index
    %get3A_8 = vector.load %arg5[%get3A_6, %get3A_7] : memref<1x128xf32, #tpu.memory_space<vmem>>, vector<1x128xf32>
    %add3A = vector.broadcast %get3A_8 : vector<1x128xf32> to vector<6400x128xf32>
    %add3A_9 = arith.addf %dot_general3A_5, %add3A : vector<6400x128xf32>
    %mul3A = arith.constant 1.44269502 : f32
    %mul3A_10 = vector.broadcast %mul3A : f32 to vector<6400x128xf32>
    %mul3A_11 = arith.mulf %add3A_9, %mul3A_10 : vector<6400x128xf32>
    %exp23A = math.exp2 %mul3A_11 : vector<6400x128xf32>
    %add3A_12 = arith.constant 1.000000e+00 : f32
    %add3A_13 = vector.broadcast %add3A_12 : f32 to vector<6400x128xf32>
    %add3A_14 = arith.addf %add3A_13, %exp23A : vector<6400x128xf32>
    %log3A = math.log %add3A_14 : vector<6400x128xf32>
    %log3A_15 = arith.constant 2.000000e+00 : f32
    %log3A_16 = math.log %log3A_15 : f32
    %div3A = vector.broadcast %log3A_16 : f32 to vector<6400x128xf32>
    %div3A_17 = arith.divf %log3A, %div3A : vector<6400x128xf32>
    %sub3A = arith.constant 1.000000e+00 : f32
    %sub3A_18 = vector.broadcast %sub3A : f32 to vector<6400x128xf32>
    %sub3A_19 = arith.subf %div3A_17, %sub3A_18 : vector<6400x128xf32>
    %mul3A_20 = arith.constant 0.693147182 : f32
    %mul3A_21 = vector.broadcast %mul3A_20 : f32 to vector<6400x128xf32>
    %mul3A_22 = arith.mulf %mul3A_21, %sub3A_19 : vector<6400x128xf32>
    %get3A_23 = arith.constant 0 : index
    %get3A_24 = arith.constant 0 : index
    %get3A_25 = vector.load %arg6[%get3A_23, %get3A_24] : memref<128x128xf32, #tpu.memory_space<vmem>>, vector<128x128xf32>
    %dot_general3A_26 = arith.constant dense<0.000000e+00> : vector<6400x128xf32>
    %dot_general3A_27 = tpu.matmul %mul3A_22, %get3A_25, %dot_general3A_26 {dimension_numbers = #tpu.dot_dimension_numbers<[1], [0], [0], [1], [0, 0, 1, 1], [], []>, transpose_lhs_hint = false} : vector<6400x128xf32>, vector<128x128xf32>, vector<6400x128xf32> -> vector<6400x128xf32>
    %get3A_28 = arith.constant 0 : index
    %get3A_29 = arith.constant 0 : index
    %get3A_30 = vector.load %arg7[%get3A_28, %get3A_29] : memref<1x128xf32, #tpu.memory_space<vmem>>, vector<1x128xf32>
    %add3A_31 = vector.broadcast %get3A_30 : vector<1x128xf32> to vector<6400x128xf32>
    %add3A_32 = arith.addf %dot_general3A_27, %add3A_31 : vector<6400x128xf32>
    %get3A_33 = arith.constant 0 : index
    %get3A_34 = arith.constant 0 : index
    %get3A_35 = vector.load %arg2[%get3A_33, %get3A_34] : memref<6400x128xf32, #tpu.memory_space<vmem>>, vector<6400x128xf32>
    %mul3A_36 = arith.mulf %add3A_32, %get3A_35 : vector<6400x128xf32>
    %reshape3A = vector.shape_cast %mul3A_36 : vector<6400x128xf32> to vector<200x32x128xf32>
    %get3A_37 = arith.constant 0 : index
    %get3A_38 = arith.constant 0 : index
    %get3A_39 = vector.load %arg3[%get3A_37, %get3A_38] : memref<200x32xf32, #tpu.memory_space<vmem>>, vector<200x32xf32>
    %broadcast_in_dim3A = vector.shape_cast %get3A_39 : vector<200x32xf32> to vector<200x32x1xf32>
    %mul3A_40 = vector.broadcast %broadcast_in_dim3A : vector<200x32x1xf32> to vector<200x32x128xf32>
    %mul3A_41 = arith.mulf %reshape3A, %mul3A_40 : vector<200x32x128xf32>
    %reduce_sum3A = arith.constant dense<0.000000e+00> : vector<200x128xf32>
    %reduce_sum3A_42 = vector.multi_reduction <add>, %mul3A_41, %reduce_sum3A [1] : vector<200x32x128xf32> to vector<200x128xf32>
    %get3A_43 = arith.constant 0 : index
    %get3A_44 = arith.constant 0 : index
    %get3A_45 = vector.load %arg8[%get3A_43, %get3A_44] : memref<128x128xf32, #tpu.memory_space<vmem>>, vector<128x128xf32>
    %dot_general3A_46 = arith.constant dense<0.000000e+00> : vector<200x128xf32>
    %dot_general3A_47 = tpu.matmul %reduce_sum3A_42, %get3A_45, %dot_general3A_46 {dimension_numbers = #tpu.dot_dimension_numbers<[1], [0], [0], [1], [0, 0, 1, 1], [], []>, transpose_lhs_hint = false} : vector<200x128xf32>, vector<128x128xf32>, vector<200x128xf32> -> vector<200x128xf32>
    %get3A_48 = arith.constant 0 : index
    %get3A_49 = arith.constant 0 : index
    %get3A_50 = vector.load %arg9[%get3A_48, %get3A_49] : memref<1x128xf32, #tpu.memory_space<vmem>>, vector<1x128xf32>
    %add3A_51 = vector.broadcast %get3A_50 : vector<1x128xf32> to vector<200x128xf32>
    %add3A_52 = arith.addf %dot_general3A_47, %add3A_51 : vector<200x128xf32>
    %mul3A_53 = arith.constant 1.44269502 : f32
    %mul3A_54 = vector.broadcast %mul3A_53 : f32 to vector<200x128xf32>
    %mul3A_55 = arith.mulf %add3A_52, %mul3A_54 : vector<200x128xf32>
    %exp23A_56 = math.exp2 %mul3A_55 : vector<200x128xf32>
    %add3A_57 = arith.constant 1.000000e+00 : f32
    %add3A_58 = vector.broadcast %add3A_57 : f32 to vector<200x128xf32>
    %add3A_59 = arith.addf %add3A_58, %exp23A_56 : vector<200x128xf32>
    %log3A_60 = math.log %add3A_59 : vector<200x128xf32>
    %log3A_61 = arith.constant 2.000000e+00 : f32
    %log3A_62 = math.log %log3A_61 : f32
    %div3A_63 = vector.broadcast %log3A_62 : f32 to vector<200x128xf32>
    %div3A_64 = arith.divf %log3A_60, %div3A_63 : vector<200x128xf32>
    %sub3A_65 = arith.constant 1.000000e+00 : f32
    %sub3A_66 = vector.broadcast %sub3A_65 : f32 to vector<200x128xf32>
    %sub3A_67 = arith.subf %div3A_64, %sub3A_66 : vector<200x128xf32>
    %mul3A_68 = arith.constant 0.693147182 : f32
    %mul3A_69 = vector.broadcast %mul3A_68 : f32 to vector<200x128xf32>
    %mul3A_70 = arith.mulf %mul3A_69, %sub3A_67 : vector<200x128xf32>
    %get3A_71 = arith.constant 0 : index
    %get3A_72 = arith.constant 0 : index
    %get3A_73 = vector.load %arg10[%get3A_71, %get3A_72] : memref<128x128xf32, #tpu.memory_space<vmem>>, vector<128x128xf32>
    %dot_general3A_74 = arith.constant dense<0.000000e+00> : vector<200x128xf32>
    %dot_general3A_75 = tpu.matmul %mul3A_70, %get3A_73, %dot_general3A_74 {dimension_numbers = #tpu.dot_dimension_numbers<[1], [0], [0], [1], [0, 0, 1, 1], [], []>, transpose_lhs_hint = false} : vector<200x128xf32>, vector<128x128xf32>, vector<200x128xf32> -> vector<200x128xf32>
    %get3A_76 = arith.constant 0 : index
    %get3A_77 = arith.constant 0 : index
    %get3A_78 = vector.load %arg11[%get3A_76, %get3A_77] : memref<1x128xf32, #tpu.memory_space<vmem>>, vector<1x128xf32>
    %add3A_79 = vector.broadcast %get3A_78 : vector<1x128xf32> to vector<200x128xf32>
    %add3A_80 = arith.addf %dot_general3A_75, %add3A_79 : vector<200x128xf32>
    %swap3A = arith.constant 0 : index
    %swap3A_81 = arith.constant 0 : index
    %swap3A_82 = vector.load %arg12[%swap3A, %swap3A_81] : memref<200x128xf32, #tpu.memory_space<vmem>>, vector<200x128xf32>
    tpu.vector_store %arg12[%swap3A, %swap3A_81], %add3A_80 {strides = array<i32>} : memref<200x128xf32, #tpu.memory_space<vmem>>, vector<200x128xf32>,
    return
  }
  func.func @transform_0(%arg0: i32) -> (i32, i32) {
    %add3A = arith.constant 0 : i32
    %add3A_0 = arith.addi %add3A, %arg0 : i32
    %c0_i32 = arith.constant 0 : i32
    %c0_i32_1 = arith.constant 0 : i32
    return %add3A_0, %c0_i32 : i32, i32
  }
  func.func @transform_1(%arg0: i32) -> (i32, i32) {
    %c0_i32 = arith.constant 0 : i32
    %c0_i32_0 = arith.constant 0 : i32
    return %arg0, %c0_i32 : i32, i32
  }
  func.func @transform_2(%arg0: i32) -> (i32, i32) {
    %add3A = arith.constant 0 : i32
    %add3A_0 = arith.addi %add3A, %arg0 : i32
    %c0_i32 = arith.constant 0 : i32
    %c0_i32_1 = arith.constant 0 : i32
    return %add3A_0, %c0_i32 : i32, i32
  }
  func.func @transform_3(%arg0: i32) -> (i32, i32) {
    %c0_i32 = arith.constant 0 : i32
    %c0_i32_0 = arith.constant 0 : i32
    %c0_i32_1 = arith.constant 0 : i32
    return %c0_i32, %c0_i32_0 : i32, i32
  }
  func.func @transform_4(%arg0: i32) -> (i32, i32) {
    %c0_i32 = arith.constant 0 : i32
    %c0_i32_0 = arith.constant 0 : i32
    %c0_i32_1 = arith.constant 0 : i32
    return %c0_i32, %c0_i32_0 : i32, i32
  }
  func.func @transform_5(%arg0: i32) -> (i32, i32) {
    %c0_i32 = arith.constant 0 : i32
    %c0_i32_0 = arith.constant 0 : i32
    %c0_i32_1 = arith.constant 0 : i32
    return %c0_i32, %c0_i32_0 : i32, i32
  }
  func.func @transform_6(%arg0: i32) -> (i32, i32) {
    %c0_i32 = arith.constant 0 : i32
    %c0_i32_0 = arith.constant 0 : i32
    %c0_i32_1 = arith.constant 0 : i32
    return %c0_i32, %c0_i32_0 : i32, i32
  }
  func.func @transform_7(%arg0: i32) -> (i32, i32) {
    %c0_i32 = arith.constant 0 : i32
    %c0_i32_0 = arith.constant 0 : i32
    %c0_i32_1 = arith.constant 0 : i32
    return %c0_i32, %c0_i32_0 : i32, i32
  }
  func.func @transform_8(%arg0: i32) -> (i32, i32) {
    %c0_i32 = arith.constant 0 : i32
    %c0_i32_0 = arith.constant 0 : i32
    %c0_i32_1 = arith.constant 0 : i32
    return %c0_i32, %c0_i32_0 : i32, i32
  }
  func.func @transform_9(%arg0: i32) -> (i32, i32) {
    %c0_i32 = arith.constant 0 : i32
    %c0_i32_0 = arith.constant 0 : i32
    %c0_i32_1 = arith.constant 0 : i32
    return %c0_i32, %c0_i32_0 : i32, i32
  }
  func.func @transform_10(%arg0: i32) -> (i32, i32) {
    %c0_i32 = arith.constant 0 : i32
    %c0_i32_0 = arith.constant 0 : i32
    %c0_i32_1 = arith.constant 0 : i32
    return %c0_i32, %c0_i32_0 : i32, i32
  }
  func.func @transform_11(%arg0: i32) -> (i32, i32) {
    %c0_i32 = arith.constant 0 : i32
    %c0_i32_0 = arith.constant 0 : i32
    return %arg0, %c0_i32 : i32, i32
  }
}

</mosaic_0001>

<sc_bundles>
// kernel: kernel.5.cloned.1.call-start
scs
__scs_entry_jumppad:
0x0: {  	(pc) =	sbr.rel $0x88, $3  }
0x1: {  	(tag) =	ssettag $0x0;
	lr =	simm.s32 $0x1  }
0x2: {  	[smem:$0x3F94] =	sst lr;
	_ =	strace $0xD0000000  }
0x3: {  	_ = 	snop  }
0x4: {  	_ = 	snop  }
0x5: {  	_ = 	snop  }
0x6: {  	_ = 	snop  }
0x7: {  	_ = 	snop  }
__scs_overlays_trampoline_lowered:
0x8: {  	[smem:$0x3FA3] =	sst s0  }
0x9: {  	[smem:$0x3FA4] =	sst s1  }
0xa: {  	[smem:$0x3FA5] =	sst s2  }
0xb: {  	[smem:$0x3FA6] =	sst s3  }
0xc: {  	[smem:$0x3FA7] =	sst s4  }
0xd: {  	[smem:$0x3FA8] =	sst s5  }
0xe: {  	[smem:$0x3FA9] =	sst s6  }
0xf: {  	[smem:$0x3FAA] =	sst s7  }
0x10: {  	[smem:$0x3FAB] =	sst s8  }
0x11: {  	[smem:$0x3FAC] =	sst s9;
	s0 =	simm.s32 @!p0 $0x0  }
0x12: {  	s1 =	sld [smem:$0x3F92];
	s0 =	simm.s32 @p0 $0x1  }
0x13: {  	[smem:$0x3FAD] =	sst s0;
	s0 =	simm.s32 @!p1 $0x0  }
0x14: {  	s2 =	sld [smem:$0x3F91];
	s0 =	simm.s32 @p1 $0x1  }
0x15: {  	[smem:$0x3FAE] =	sst s0;
	s0 =	simm.s32 @!p2 $0x0  }
0x16: {  	s3 =	sld [smem:$0x3FDB];
	s0 =	simm.s32 @p2 $0x1  }
0x17: {  	s4 =	simm.s32 $0x1BF5;
	[smem:$0x3FB0] =	sst s0  }
0x18: {  	s0 =	sld [smem:$0x3F93];
	_ =	swait.ge [sflag:s4], $0x0  }
0x19: {  	s7 =	sld [smem:$0x3F94]  }
0x1a: {  	s8 =	sadd.s32 $0xFFFFE003, lr  }
0x1b: {  	s9 =	sadd.s32 $0xFFFFFEF7, lr;
	s5 =	simm.s32 $0xFFFFFFFF;
	p2 =	slt.u32 s8, $0xFFFFF086  }
0x1c: {  	p1 =	slt.u32 s9, $0xF7A;
	s5 =	simm.s32 @!p2 $0x0  }
0x1d: {  	s5 =	simm.s32 @p1 $0x1;
	p0 =	seq.s32 s7, s2  }
0x1e: {  	s7 =	smul.u32 @!p0 $0xF7A, s2;
	p2 =	seq.s32 @!p0 s5, $0x0  }
0x1f: {  	s9 =	smul.u32 $0xF7A, s1;
	s8 =	simm.s32 @!p0 $0x1BF5;
	p2 =	por !p2, p0  }
0x20: {  	[sflag:s8] =	ssyncset.s32 @!p0 $0xFFFFF086;
	s6 =	sadd.s32 @!p0 s3, s7;
	s7 =	simm.s32 @!p0 $0x108  }
0x21: {  	s3 =	sadd.s32 s3, s9;
	s6 =	sadd.s32 @!p0 $0x88, s6;
	s7 =	simm.s32 @p2 $0x1082  }
0x22: {  	[simem:s7], [sflag:s8] =	dma.local @!p0 [hbm:s6], $0xF7A  }
0x23: {  	s9 =	sor.u32 $0xD0000000, s2;
	s6 =	simm.s32 $0x108;
	_ =	swait.ge @!p0 [sflag:s8], $0x0  }
0x24: {  	s3 =	sadd.s32 $0x88, s3;
	s6 =	simm.s32 @!p1 $0x1082;
	[sflag:s4] =	ssyncset.s32 $0xFFFFF086  }
0x25: {  	[simem:s6], [sflag:s4] =	dma.local [hbm:s3], $0xF7A  }
0x26: {  	[smem:$0x3F94] =	sst s1;
	(tag) =	ssettag s2;
	_ =	strace s9  }
0x27: {  	s1 =	sld [smem:$0x3FA4]  }
0x28: {  	s2 =	sld [smem:$0x3FA5]  }
0x29: {  	s4 =	sld [smem:$0x3FA7]  }
0x2a: {  	p0 =	seq.s32 s5, $0x0;
	s5 =	sld [smem:$0x3FA8]  }
0x2b: {  	s6 =	sld [smem:$0x3FA9]  }
0x2c: {  	s7 =	sld [smem:$0x3FAA]  }
0x2d: {  	s3 =	simm.s32 $0x108;
	s8 =	sld [smem:$0x3FAB]  }
0x2e: {  	s3 =	simm.s32 @!p0 $0x1082;
	s9 =	sld [smem:$0x3FAC]  }
0x2f: {  	lr =	sadd.s32 s0, s3;
	s0 =	sld [smem:$0x3FA3]  }
0x30: {  	s3 =	sld [smem:$0x3FA6]  }
0x31: {  	[smem:$0x3FAF] =	sst s10  }
0x32: {  	s10 =	sld [smem:$0x3FAD];
	_ =	sdelay $0x3  }
0x33: {  	p0 =	seq.s32 s10, $0x1;
	s10 =	sld [smem:$0x3FAF];
	_ =	sdelay $0x3  }
0x34: {  	[smem:$0x3FAF] =	sst s10  }
0x35: {  	s10 =	sld [smem:$0x3FAE];
	_ =	sdelay $0x3  }
0x36: {  	p1 =	seq.s32 s10, $0x1;
	s10 =	sld [smem:$0x3FAF];
	_ =	sdelay $0x3  }
0x37: {  	[smem:$0x3FAF] =	sst s10  }
0x38: {  	s10 =	sld [smem:$0x3FB0]  }
0x39: {  	_ = 	snop;
	(pc) =	sbr.ind lr, $3  }
0x3a: {  	_ = 	snop  }
0x3b: {  	_ = 	snop  }
0x3c: {  	p2 =	seq.s32 s10, $0x1;
	s10 =	sld [smem:$0x3FAF]  }
0x3d: {  	_ =	shalt  }
0x3e: {  	_ =	shalt  }
0x3f: {  	_ =	shalt  }
0x40: {  	_ =	shalt  }
0x41: {  	_ =	shalt  }
0x42: {  	_ =	shalt  }
0x43: {  	_ =	shalt  }
0x44: {  	_ =	shalt  }
0x45: {  	_ =	shalt  }
0x46: {  	_ =	shalt  }
0x47: {  	_ =	shalt  }
0x48: {  	_ =	shalt  }
0x49: {  	_ =	shalt  }
0x4a: {  	_ =	shalt  }
0x4b: {  	_ =	shalt  }
0x4c: {  	_ =	shalt  }
0x4d: {  	_ =	shalt  }
0x4e: {  	_ =	shalt  }
0x4f: {  	_ =	shalt  }
0x50: {  	_ =	shalt  }
0x51: {  	_ =	shalt  }
0x52: {  	_ =	shalt  }
0x53: {  	_ =	shalt  }
0x54: {  	_ =	shalt  }
0x55: {  	_ =	shalt  }
0x56: {  	_ =	shalt  }
0x57: {  	_ =	shalt  }
0x58: {  	_ =	shalt  }
0x59: {  	_ =	shalt  }
0x5a: {  	_ =	shalt  }
0x5b: {  	_ =	shalt  }
0x5c: {  	_ =	shalt  }
0x5d: {  	_ =	shalt  }
0x5e: {  	_ =	shalt  }
0x5f: {  	_ =	shalt  }
0x60: {  	_ =	shalt  }
0x61: {  	_ =	shalt  }
0x62: {  	_ =	shalt  }
0x63: {  	_ =	shalt  }
0x64: {  	_ =	shalt  }
0x65: {  	_ =	shalt  }
0x66: {  	_ =	shalt  }
0x67: {  	_ =	shalt  }
0x68: {  	_ =	shalt  }
0x69: {  	_ =	shalt  }
0x6a: {  	_ =	shalt  }
0x6b: {  	_ =	shalt  }
0x6c: {  	_ =	shalt  }
0x6d: {  	_ =	shalt  }
0x6e: {  	_ =	shalt  }
0x6f: {  	_ =	shalt  }
0x70: {  	_ =	shalt  }
0x71: {  	_ =	shalt  }
0x72: {  	_ =	shalt  }
0x73: {  	_ =	shalt  }
0x74: {  	_ =	shalt  }
0x75: {  	_ =	shalt  }
0x76: {  	_ =	shalt  }
0x77: {  	_ =	shalt  }
0x78: {  	_ =	shalt  }
0x79: {  	_ =	shalt  }
0x7a: {  	_ =	shalt  }
0x7b: {  	_ =	shalt  }
0x7c: {  	_ =	shalt  }
0x7d: {  	_ =	shalt  }
0x7e: {  	_ =	shalt  }
0x7f: {  	_ =	shalt  }
0x80: {  	_ =	shalt  }
0x81: {  	_ =	shalt  }
0x82: {  	_ =	shalt  }
0x83: {  	_ =	shalt  }
0x84: {  	_ =	shalt  }
0x85: {  	_ =	shalt  }
0x86: {  	_ =	shalt  }
0x87: {  	_ =	shalt  }
.Lfunc_end0:
.L_simem_size_0:
called_computation_lowered:
.L_overlay_start_0:
0x88: {  	s2 =	sld [smem:$0x3FD9]  }
0x89: {  	s3 =	sld [smem:$0x3FFE];
	_ =	sdelay $0x1  }
0x8a: {  	s1 =	srdreg.scid  }
0x8b: {  	s0 =	sand.u32 $0x1, s1  }
0x8c: {  	s17 =	sshll.u32 s0, $0xA;
	s2 =	sadd.s32 s3, s2  }
0x8d: {  	s2 =	sadd.s32 s2, s17  }
0x8e: {  	[smem:$0x3FBB] =	sst s2  }
0x8f: {  	_ = 	snop  }
0x90: {  	s2 =	sld [smem:$0x3FD0];
	(tm) =	ssettm $0x1  }
0x91: {  	s18 =	sld [smem:$0x3FFB];
	_ =	sdelay $0x3  }
0x92: {  	_ =	strace s18  }
0x93: {  	s3 =	sld [smem:$0x3FFC];
	_ =	sdelay $0x3  }
0x94: {  	_ =	strace s3  }
0x95: {  	s3 =	sld [smem:$0x3FFD];
	_ =	sdelay $0x3  }
0x96: {  	_ =	strace s3  }
0x97: {  	_ =	strace $0x8FFFFFFF  }
0x98: {  	s19 =	sld [smem:$0x3FDB];
	_ =	sdelay $0x1  }
0x99: {  	s4 =	simm.s32 $_scs_section_size  }
0x9a: {  	s5 =	simm.s32 $_size__tile_overlayer_lowered;
	s6 =	simm.s32 $_tile_overlayer_lowered  }
0x9b: {  	s22 =	simm.s32 $0x1BFF;
	s21 =	sshll.u32 s6, $0x1;
	s3 =	sadd.s32 s4, s19  }
0x9c: {  	s7 =	simm.s32 $0x0;
	s20 =	sshll.u32 s5, $0x1;
	s5 =	sadd.s32 s21, s3  }
0x9d: {  	[timem:s7], [sflag:s22] =	dma.local [hbm:s5], s20  }
0x9e: {  	_ =	swait.ge [sflag:s22], s20  }
0x9f: {  	s4 =	ssub.s32 $0x0, s20;
	[sflag:s22] =	ssyncset.done $0x0  }
0xa0: {  	[sflag:s22] =	ssyncadd.s32 s4;
	_ =	sdelay $0x1  }
0xa1: {  	s23 =	simm.s32 $0x1B8B  }
0xa2: {  	_ =	swait.ge [sflag:s23], $0x1  }
0xa3: {  	[sflag:s23] =	ssyncset.done $0x0  }
0xa4: {  	s25 =	simm.s32 $0x1B8E;
	s24 =	sld [smem:$0x3FFE];
	[sflag:s23] =	ssyncadd.s32 $0xFFFFFFFF  }
0xa5: {  	s26 =	simm.s32 $execute0_lowered;
	[smem:$0x3FD2] =	sst s25  }
0xa6: {  	s5 =	sshll.u32 s26, $0x1;
	_ =	strace $0x80000046;
	[dreg:$0x1] =	wrdreg $0xFFFFFFFF  }
0xa7: {  	s28 =	simm.s32 $_size_execute0_lowered;
	s3 =	sadd.s32 s3, s5;
	[dreg:$0x0] =	wrdreg $0x0  }
0xa8: {  	s5 =	sshll.u32 s28, $0x1;
	[dreg:$0x2] =	wrdreg s3  }
0xa9: {  	[dreg:$0x3] =	wrdreg s5  }
0xaa: {  	[dreg:$0x4] =	wrdreg $0xC0  }
0xab: {  	_ =	task [dreg:s7], $0x5FFFF  }
0xac: {  	[dreg:$0x1] =	wrdreg $0xFFFFFFFF  }
0xad: {  	[dreg:$0x0] =	wrdreg $0x60  }
0xae: {  	[dreg:$0x2] =	wrdreg s2  }
0xaf: {  	[dreg:$0x3] =	wrdreg s24  }
0xb0: {  	[dreg:$0x4] =	wrdreg $0x9  }
0xb1: {  	_ =	task.clear_ibuf [dreg:s7], $0x5FFFF;
	_ =	strace $0x90000046  }
0xb2: {  	s29 =	simm.s32 $0x9;
	_ =	strace $0x80000048  }
0xb3: {  	_ =	swait.ge [sflag:s29], $0x1  }
0xb4: {  	[sflag:s29] =	ssyncadd.s32 $0xFFFFFFFF  }
0xb5: {  	_ =	strace $0x90000048  }
0xb6: {  	_ =	sfence  }
0xb7: {  	s30 =	sld [smem:$0x0];
	_ =	sdelay $0x2  }
0xb8: {  	s31 =	sshll.u32 s1, $0xD;
	s1 =	sshrl.u32 s1, $0x2  }
0xb9: {  	s3 =	sand.u32 $0x4000, s31;
	s1 =	sadd.s32 s1, s30  }
0xba: {  	s0 =	sor.u32 s3, s0;
	s1 =	sshll.u32 s1, $0x11  }
0xbb: {  	s0 =	sor.u32 s1, s0  }
0xbc: {  	s0 =	sadd.s32 $0x8F2B, s0  }
0xbd: {  	[sflag:s0] =	ssyncadd.remote.s32 $0x1  }
0xbe: {  	_ =	sfence.sel $0xFFFF  }
0xbf: {  	[dreg:$0x0] =	wrdreg $0xFFFFFFFF;
	(pc) =	sbr.abs _section_cstart, $3  }
0xc0: {  	[dreg:$0x1] =	wrdreg $0xFFFFFFFF  }
0xc1: {  	_ =	task.clear_ibuf [dreg:s7], $0x2FFFF;
	_ =	strace $0x9FFFFFFF  }
0xc2: {  	(tm) =	ssettm $0x7FFFFFFF  }
0xc3: {  	_ =	shalt  }
tec
execute0_lowered:
.L_overlay_start_1:
0x0: {  	(tag) =	ssettag $0x1  }
0x1: {  	s2 =	rddreg [dreg:$0x0];
	s0 =	srdreg.scid  }
0x2: {  	s8 =	stileid.u32;
	s1 =	rddreg [dreg:$0x1];
	s3 =	simm.s32 $0x0  }
0x3: {  	s12 =	simm.s32 $0xB;
	s13 =	simm.s32 $0x50;
	s14 =	simm.s32 $0x4000  }
0x4: {  	s16 =	simm.s32 $0x6800;
	s18 =	simm.s32 $0x9000;
	s20 =	simm.s32 $0xB800  }
0x5: {  	s22 =	simm.s32 $0xE000;
	s23 =	simm.s32 $0x1;
	s24 =	simm.s32 $0x2  }
0x6: {  	s25 =	simm.s32 $0x3;
	s28 =	simm.s32 $0x5;
	s29 =	simm.s32 $0x6  }
0x7: {  	s30 =	simm.s32 $0x7;
	s31 =	simm.s32 $0x8;
	s15 =	simm.s32 $0x0  }
0x8: {  	s0 =	sand.u32 $0x1, s0;
	s4 =	sshll.u32 s8, $0x1;
	[smem:$0x7FF] =	sst s3  }
0x9: {  	s8 =	smul.u32 $0x4E200, s8;
	s4 =	sor.u32 s0, s4;
	_ =	strace $0x80000047  }
0xa: {  	s6 =	ssub.s32 $0x2, s0;
	s5 =	sshll.u32 s4, $0xB;
	s4 =	smul.u32 $0x138800, s4  }
0xb: {  	s0 =	smul.u32 $0x27100, s0;
	s7 =	sshrl.u32 s6, $0x1;
	s5 =	sadd.s32 s5, s1  }
0xc: {  	s1 =	sadd.s32 $0x11C00, s1;
	s10 =	ssub.s32 s6, s7;
	s4 =	sshrl.u32 s4, $0x3  }
0xd: {  	s26 =	sadd.s32 $0x1C00, s5;
	s10 =	smax.u32 s10, $0x1;
	s9 =	sadd.s32 s1, s4  }
0xe: {  	[dreg:$0x3] =	wrdreg s26;
	s1 =	sadd.s32 s8, s1;
	s26 =	simm.s32 $0x4  }
0xf: {  	s5 =	sadd.s32 $0x25800, s9;
	s6 =	sadd.s32 $0x25D00, s9;
	s7 =	sadd.s32 $0x26200, s9  }
0x10: {  	s8 =	sadd.s32 $0x26700, s9;
	s9 =	sadd.s32 $0x26C00, s9;
	s0 =	sadd.s32 s0, s1  }
0x11: {  	s1 =	simm.s32 $0x9;
	s11 =	sadd.s32 $0x1400, s0;
	s0 =	simm.s32 $0xA  }
.LBB2_1:
0x12: {  	s4 =	rddreg [dreg:$0x3]  }
0x13: {  	[tilespmem:s3], [sflag:$0xB] =	stream.linear.gather [hbm4b:s4+s3], $0x3E80, $0x38;
	[tilespmem:$0x10800] =	vst v63  }
0x14: {  	_ =	swait.ge [sflag:s12], $0x3E80  }
0x15: {  	[sflag:s12] =	ssyncset.done $0x0  }
0x16: {  	[sflag:s12] =	ssyncadd.s32 $0xFFFFC180  }
0x17: {  	[tilespmem:s14], [sflag:$0x1] =	stream.indirect.gather [hbm4b:s2+s13], $0x80, s3, s13, $0xb8;
	[tilespmem:$0x10800] =	vst v63  }
0x18: {  	s19 =	simm.s32 $0x80  }
0x19: {  	[tilespmem:s16], [sflag:$0x2] =	stream.indirect.gather [hbm4b:s2+s13], $0x80, s19, s13, $0xb8;
	[tilespmem:$0x10800] =	vst v63  }
0x1a: {  	s21 =	simm.s32 $0x100  }
0x1b: {  	[tilespmem:s18], [sflag:$0x3] =	stream.indirect.gather [hbm4b:s2+s13], $0x80, s21, s13, $0xb8;
	[tilespmem:$0x10800] =	vst v63  }
0x1c: {  	s17 =	simm.s32 $0x180  }
0x1d: {  	[tilespmem:s20], [sflag:$0x4] =	stream.indirect.gather [hbm4b:s2+s13], $0x80, s17, s13, $0xb8;
	[tilespmem:$0x10800] =	vst v63  }
0x1e: {  	s19 =	simm.s32 $0x200  }
0x1f: {  	[tilespmem:s22], [sflag:$0x5] =	stream.indirect.gather [hbm4b:s2+s13], $0x80, s19, s13, $0xb8;
	[tilespmem:$0x10800] =	vst v63  }
0x20: {  	_ =	swait.ge [sflag:s23], $0x2800  }
0x21: {  	[sflag:s23] =	ssyncset.done $0x0  }
0x22: {  	s17 =	sadd.s32 $0xFFFFEC00, s11;
	[sflag:s23] =	ssyncadd.s32 $0xFFFFD800  }
0x23: {  	[hbm4b:s17+s3] =	stream.linear.scatter [tilespmem:s14], [sflag:$0x6], $0x2800, $0x38;
	[tilespmem:$0x10800] =	vst v63  }
0x24: {  	_ =	swait.ge [sflag:s24], $0x2800  }
0x25: {  	[sflag:s24] =	ssyncset.done $0x0  }
0x26: {  	s21 =	sadd.s32 $0xFFFFF100, s11;
	[sflag:s24] =	ssyncadd.s32 $0xFFFFD800  }
0x27: {  	[hbm4b:s21+s3] =	stream.linear.scatter [tilespmem:s16], [sflag:$0x7], $0x2800, $0x38;
	[tilespmem:$0x10800] =	vst v63  }
0x28: {  	_ =	swait.ge [sflag:s25], $0x2800  }
0x29: {  	[sflag:s25] =	ssyncset.done $0x0  }
0x2a: {  	s4 =	sadd.s32 $0xFFFFF600, s11;
	[sflag:s25] =	ssyncadd.s32 $0xFFFFD800  }
0x2b: {  	[hbm4b:s4+s3] =	stream.linear.scatter [tilespmem:s18], [sflag:$0x8], $0x2800, $0x38;
	[tilespmem:$0x10800] =	vst v63  }
0x2c: {  	_ =	swait.ge [sflag:s26], $0x2800  }
0x2d: {  	[sflag:s26] =	ssyncset.done $0x0  }
0x2e: {  	s19 =	sadd.s32 $0xFFFFFB00, s11;
	[sflag:s26] =	ssyncadd.s32 $0xFFFFD800  }
0x2f: {  	[hbm4b:s19+s3] =	stream.linear.scatter [tilespmem:s20], [sflag:$0x9], $0x2800, $0x38;
	[tilespmem:$0x10800] =	vst v63  }
0x30: {  	_ =	swait.ge [sflag:s28], $0x2800  }
0x31: {  	[sflag:s28] =	ssyncset.done $0x0  }
0x32: {  	[sflag:s28] =	ssyncadd.s32 $0xFFFFD800  }
0x33: {  	[hbm4b:s11+s3] =	stream.linear.scatter [tilespmem:s22], [sflag:$0xA], $0x2800, $0x38;
	[tilespmem:$0x10800] =	vst v63  }
0x34: {  	_ =	swait.ge [sflag:s29], $0x2800  }
0x35: {  	[sflag:s29] =	ssyncset.done $0x0  }
0x36: {  	s21 =	simm.s32 $0x280;
	[sflag:s29] =	ssyncadd.s32 $0xFFFFD800  }
0x37: {  	[tilespmem:s14], [sflag:$0x1] =	stream.indirect.gather [hbm4b:s2+s13], $0x80, s21, s13, $0xb8;
	[tilespmem:$0x10800] =	vst v63  }
0x38: {  	_ =	swait.ge [sflag:s30], $0x2800  }
0x39: {  	[sflag:s30] =	ssyncset.done $0x0  }
0x3a: {  	s4 =	simm.s32 $0x300;
	[sflag:s30] =	ssyncadd.s32 $0xFFFFD800  }
0x3b: {  	[tilespmem:s16], [sflag:$0x2] =	stream.indirect.gather [hbm4b:s2+s13], $0x80, s4, s13, $0xb8;
	[tilespmem:$0x10800] =	vst v63  }
0x3c: {  	_ =	swait.ge [sflag:s31], $0x2800  }
0x3d: {  	[sflag:s31] =	ssyncset.done $0x0  }
0x3e: {  	s19 =	simm.s32 $0x380;
	[sflag:s31] =	ssyncadd.s32 $0xFFFFD800  }
0x3f: {  	[tilespmem:s18], [sflag:$0x3] =	stream.indirect.gather [hbm4b:s2+s13], $0x80, s19, s13, $0xb8;
	[tilespmem:$0x10800] =	vst v63  }
0x40: {  	_ =	swait.ge [sflag:s1], $0x2800  }
0x41: {  	[sflag:s1] =	ssyncset.done $0x0  }
0x42: {  	s21 =	simm.s32 $0x400;
	[sflag:s1] =	ssyncadd.s32 $0xFFFFD800  }
0x43: {  	[tilespmem:s20], [sflag:$0x4] =	stream.indirect.gather [hbm4b:s2+s13], $0x80, s21, s13, $0xb8;
	[tilespmem:$0x10800] =	vst v63  }
0x44: {  	_ =	swait.ge [sflag:s0], $0x2800  }
0x45: {  	s17 =	simm.s32 $0xA00;
	[sflag:s0] =	ssyncset.done $0x0  }
0x46: {  	s19 =	sadd.s32 $0x1900, s11;
	s21 =	simm.s32 $0x480;
	[sflag:s0] =	ssyncadd.s32 $0xFFFFD800  }
.LBB2_2:
0x47: {  	[tilespmem:s22], [sflag:$0x5] =	stream.indirect.gather [hbm4b:s2+s13], $0x80, s21, s13, $0xb8;
	[tilespmem:$0x10800] =	vst v63  }
0x48: {  	s21 =	smov.u32 s17  }
0x49: {  	p0 =	sne.s32 s17, $0xE600;
	s17 =	sadd.s32 $0xA00, s17;
	_ =	swait.ge [sflag:s23], $0x2800  }
0x4a: {  	[sflag:s23] =	ssyncset.done $0x0  }
0x4b: {  	s4 =	sadd.s32 $0xFFFFEC00, s19;
	[sflag:s23] =	ssyncadd.s32 $0xFFFFD800  }
0x4c: {  	[hbm4b:s4+s3] =	stream.linear.scatter [tilespmem:s14], [sflag:$0x6], $0x2800, $0x38;
	[tilespmem:$0x10800] =	vst v63  }
0x4d: {  	_ =	swait.ge [sflag:s24], $0x2800  }
0x4e: {  	[sflag:s24] =	ssyncset.done $0x0  }
0x4f: {  	s4 =	sadd.s32 $0xFFFFF100, s19;
	[sflag:s24] =	ssyncadd.s32 $0xFFFFD800  }
0x50: {  	[hbm4b:s4+s3] =	stream.linear.scatter [tilespmem:s16], [sflag:$0x7], $0x2800, $0x38;
	[tilespmem:$0x10800] =	vst v63  }
0x51: {  	_ =	swait.ge [sflag:s25], $0x2800  }
0x52: {  	[sflag:s25] =	ssyncset.done $0x0  }
0x53: {  	s4 =	sadd.s32 $0xFFFFF600, s19;
	[sflag:s25] =	ssyncadd.s32 $0xFFFFD800  }
0x54: {  	[hbm4b:s4+s3] =	stream.linear.scatter [tilespmem:s18], [sflag:$0x8], $0x2800, $0x38;
	[tilespmem:$0x10800] =	vst v63  }
0x55: {  	_ =	swait.ge [sflag:s26], $0x2800  }
0x56: {  	[sflag:s26] =	ssyncset.done $0x0  }
0x57: {  	s4 =	sadd.s32 $0xFFFFFB00, s19;
	[sflag:s26] =	ssyncadd.s32 $0xFFFFD800  }
0x58: {  	[hbm4b:s4+s3] =	stream.linear.scatter [tilespmem:s20], [sflag:$0x9], $0x2800, $0x38;
	[tilespmem:$0x10800] =	vst v63  }
0x59: {  	_ =	swait.ge [sflag:s28], $0x2800  }
0x5a: {  	[sflag:s28] =	ssyncset.done $0x0  }
0x5b: {  	[sflag:s28] =	ssyncadd.s32 $0xFFFFD800  }
0x5c: {  	[hbm4b:s19+s3] =	stream.linear.scatter [tilespmem:s22], [sflag:$0xA], $0x2800, $0x38;
	[tilespmem:$0x10800] =	vst v63  }
0x5d: {  	_ =	swait.ge [sflag:s29], $0x2800  }
0x5e: {  	s4 =	sshra.s32 s21, $0x2;
	[sflag:s29] =	ssyncset.done $0x0  }
0x5f: {  	s21 =	sadd.s32 $0x280, s4;
	[sflag:s29] =	ssyncadd.s32 $0xFFFFD800  }
0x60: {  	[tilespmem:s14], [sflag:$0x1] =	stream.indirect.gather [hbm4b:s2+s13], $0x80, s21, s13, $0xb8;
	[tilespmem:$0x10800] =	vst v63  }
0x61: {  	_ =	swait.ge [sflag:s30], $0x2800  }
0x62: {  	[sflag:s30] =	ssyncset.done $0x0  }
0x63: {  	s21 =	sadd.s32 $0x300, s4;
	[sflag:s30] =	ssyncadd.s32 $0xFFFFD800  }
0x64: {  	[tilespmem:s16], [sflag:$0x2] =	stream.indirect.gather [hbm4b:s2+s13], $0x80, s21, s13, $0xb8;
	[tilespmem:$0x10800] =	vst v63  }
0x65: {  	_ =	swait.ge [sflag:s31], $0x2800  }
0x66: {  	[sflag:s31] =	ssyncset.done $0x0  }
0x67: {  	s21 =	sadd.s32 $0x380, s4;
	[sflag:s31] =	ssyncadd.s32 $0xFFFFD800  }
0x68: {  	[tilespmem:s18], [sflag:$0x3] =	stream.indirect.gather [hbm4b:s2+s13], $0x80, s21, s13, $0xb8;
	[tilespmem:$0x10800] =	vst v63  }
0x69: {  	_ =	swait.ge [sflag:s1], $0x2800  }
0x6a: {  	[sflag:s1] =	ssyncset.done $0x0  }
.Ltmp0:
0x6b: {  	s21 =	sadd.s32 $0x400, s4;
	[sflag:s1] =	ssyncadd.s32 $0xFFFFD800;
	(pc) =	sbr.rel @p0 .LBB2_2-.Ltmp0, $4  }
0x6c: {  	[tilespmem:s20], [sflag:$0x4] =	stream.indirect.gather [hbm4b:s2+s13], $0x80, s21, s13, $0xb8;
	[tilespmem:$0x10800] =	vst v63  }
0x6d: {  	_ =	swait.ge [sflag:s0], $0x2800  }
0x6e: {  	[sflag:s0] =	ssyncset.done $0x0  }
0x6f: {  	s19 =	sadd.s32 $0x1900, s19;
	s21 =	sadd.s32 $0x480, s4;
	[sflag:s0] =	ssyncadd.s32 $0xFFFFD800  }
0x70: {  	[tilespmem:s22], [sflag:$0x5] =	stream.indirect.gather [hbm4b:s2+s13], $0x80, s21, s13, $0xb8;
	[tilespmem:$0x10800] =	vst v63  }
0x71: {  	_ =	swait.ge [sflag:s23], $0x2800  }
0x72: {  	[sflag:s23] =	ssyncset.done $0x0  }
0x73: {  	[sflag:s23] =	ssyncadd.s32 $0xFFFFD800  }
0x74: {  	[hbm4b:s5+s3] =	stream.linear.scatter [tilespmem:s14], [sflag:$0x6], $0x2800, $0x38;
	[tilespmem:$0x10800] =	vst v63  }
0x75: {  	_ =	swait.ge [sflag:s24], $0x2800  }
0x76: {  	[sflag:s24] =	ssyncset.done $0x0  }
0x77: {  	[sflag:s24] =	ssyncadd.s32 $0xFFFFD800  }
0x78: {  	[hbm4b:s6+s3] =	stream.linear.scatter [tilespmem:s16], [sflag:$0x7], $0x2800, $0x38;
	[tilespmem:$0x10800] =	vst v63  }
0x79: {  	_ =	swait.ge [sflag:s25], $0x2800  }
0x7a: {  	[sflag:s25] =	ssyncset.done $0x0  }
0x7b: {  	[sflag:s25] =	ssyncadd.s32 $0xFFFFD800  }
0x7c: {  	[hbm4b:s7+s3] =	stream.linear.scatter [tilespmem:s18], [sflag:$0x8], $0x2800, $0x38;
	[tilespmem:$0x10800] =	vst v63  }
0x7d: {  	_ =	swait.ge [sflag:s26], $0x2800  }
0x7e: {  	[sflag:s26] =	ssyncset.done $0x0  }
0x7f: {  	[sflag:s26] =	ssyncadd.s32 $0xFFFFD800  }
0x80: {  	[hbm4b:s8+s3] =	stream.linear.scatter [tilespmem:s20], [sflag:$0x9], $0x2800, $0x38;
	[tilespmem:$0x10800] =	vst v63  }
0x81: {  	_ =	swait.ge [sflag:s28], $0x2800  }
0x82: {  	[sflag:s28] =	ssyncset.done $0x0  }
0x83: {  	[sflag:s28] =	ssyncadd.s32 $0xFFFFD800  }
0x84: {  	[hbm4b:s9+s3] =	stream.linear.scatter [tilespmem:s22], [sflag:$0xA], $0x2800, $0x38;
	[tilespmem:$0x10800] =	vst v63  }
0x85: {  	_ =	swait.ge [sflag:s29], $0x2800  }
0x86: {  	[sflag:s29] =	ssyncset.done $0x0  }
0x87: {  	[sflag:s29] =	ssyncadd.s32 $0xFFFFD800  }
0x88: {  	_ =	swait.ge [sflag:s30], $0x2800  }
0x89: {  	[sflag:s30] =	ssyncset.done $0x0  }
0x8a: {  	[sflag:s30] =	ssyncadd.s32 $0xFFFFD800  }
0x8b: {  	_ =	swait.ge [sflag:s31], $0x2800  }
0x8c: {  	[sflag:s31] =	ssyncset.done $0x0  }
0x8d: {  	s15 =	sadd.s32 $0x1, s15;
	[sflag:s31] =	ssyncadd.s32 $0xFFFFD800  }
0x8e: {  	p0 =	sne.s32 s15, s10;
	_ =	swait.ge [sflag:s1], $0x2800  }
.Ltmp1:
0x8f: {  	[sflag:s1] =	ssyncset.done $0x0;
	(pc) =	sbr.rel @p0 .LBB2_1-.Ltmp1, $4  }
0x90: {  	[sflag:s1] =	ssyncadd.s32 $0xFFFFD800  }
0x91: {  	_ =	swait.ge [sflag:s0], $0x2800  }
0x92: {  	[sflag:s0] =	ssyncset.done $0x0  }
0x93: {  	[sflag:s0] =	ssyncadd.s32 $0xFFFFD800  }
0x94: {  	_ =	sfence.sel $0x180000  }
0x95: {  	[bflag:$0x0] =	sbarrier.arrive $0xFFFF  }
0x96: {  	_ =	strace $0x90000047  }
0x97: {  	s0 =	stileid.u32;
	[bflag:$0x2] =	sbarrier.arrive $0xFFFF  }
0x98: {  	p0 =	sne.s32 s0, $0x0;
	s0 =	rddreg [dreg:$0x2]  }
0x99: {  	s0 =	sadd.s32 @!p0 $0x100000, s0  }
0x9a: {  	[sflag:s0] =	ssyncadd.tile.s32 @!p0 $0x1;
	_ =	shalt  }
.Lfunc_end2:
_tile_overlayer_lowered:
.L_overlay_start_2:
0x9b: {  	(tag) =	ssettag $0x2  }
0x9c: {  	s0 =	rddreg [dreg:$0x0];
	s2 =	stileid.u32  }
0x9d: {  	s1 =	rddreg [dreg:$0x1];
	p0 =	sne.s32 s2, $0x0  }
0x9e: {  	s3 =	rddreg [dreg:$0x2];
	[bflag:$0x3] =	sbarrier.arrive $0xFFFF;
	s2 =	simm.s32 @!p0 $0x1C0B  }
0x9f: {  	[timem:s3], [sflag:s2] =	dma.local @!p0 [hbm:s0], s1  }
0xa0: {  	s0 =	simm.s32 @!p0 $0xB  }
0xa1: {  	_ =	swait.ge @!p0 [sflag:s0], s1  }
0xa2: {  	s1 =	ssub.s32 @!p0 $0x0, s1;
	[sflag:s0] =	ssyncset.done @!p0 $0x0  }
0xa3: {  	[sflag:s0] =	ssyncadd.s32 @!p0 s1  }
0xa4: {  	[bflag:$0x3] =	sbarrier.arrive $0xFFFF  }
0xa5: {  	_ =	shalt  }

</sc_bundles>
